<compile_context>
chip_gen: v7x
topology: tpu7x:2x2x1
jax: 0.10.2.dev20260603
libtpu: 0.0.44.dev20260713+nightly
codegen_flags: <defaults>
</compile_context>

<pallas_src>
import functools

import jax
import jax.numpy as jnp
from jax import lax
from jax.experimental import pallas as pl
from jax.experimental.pallas import tpu as pltpu
from jax.experimental.pallas import tpu_sc as plsc

VOCAB = 25000
EMB_DIM = 100
SEQ_LEN = 200
BATCH = 4096
POOL_K = 5
T_OUT = SEQ_LEN // POOL_K

NUM_CORES = 2
NUM_SUBCORES = 16
LANES = 16
NW = NUM_CORES * NUM_SUBCORES
B_PER_W = BATCH // NW
NCHUNK = B_PER_W // LANES

VBLK = 12800
NVB = 2
VPAD = NVB * VBLK


def _scores_body(embt_ref, w_ref, b_ref, out_ref):
    prod = lax.dot_general(
        w_ref[...], embt_ref[...],
        dimension_numbers=(((1,), (0,)), ((), ())),
        preferred_element_type=jnp.float32,
    )
    out_ref[0] = prod * (1.0 / POOL_K) + b_ref[0, 0] * (1.0 / POOL_K)


def _compute_scores(emb_table, fc_w, fc_b):
    out = pl.pallas_call(
        _scores_body,
        grid=(NVB,),
        in_specs=[
            pl.BlockSpec((EMB_DIM, VBLK), lambda i: (0, i)),
            pl.BlockSpec((1, EMB_DIM), lambda i: (0, 0)),
            pl.BlockSpec((1, 1), lambda i: (0, 0)),
        ],
        out_specs=pl.BlockSpec((1, 1, VBLK), lambda i: (i, 0, 0)),
        out_shape=jax.ShapeDtypeStruct((NVB, 1, VBLK), jnp.float32),
    )(emb_table.T, fc_w, fc_b.reshape(1, 1))
    return out.reshape(VPAD)


@functools.partial(
    pl.kernel,
    mesh=plsc.VectorSubcoreMesh(core_axis_name="c", subcore_axis_name="s"),
    out_type=jax.ShapeDtypeStruct((T_OUT, NW, B_PER_W), jnp.float32),
    compiler_params=pltpu.CompilerParams(needs_layout_passes=False),
    scratch_types=[
        pltpu.VMEM((VPAD,), jnp.float32),
        pltpu.VMEM((SEQ_LEN, B_PER_W), jnp.int32),
        pltpu.VMEM((T_OUT, B_PER_W), jnp.float32),
        pltpu.SemaphoreType.DMA,
        pltpu.SemaphoreType.DMA,
        pltpu.SemaphoreType.DMA,
    ],
)
def _sc_pool(scores_hbm, text_hbm, out_hbm, scores_v, text_v, out_v,
             sem_s, sem_t0, sem_t1):
    wid = lax.axis_index("s") * NUM_CORES + lax.axis_index("c")
    base = wid * B_PER_W
    sp0 = 120
    qs = VPAD // 4
    cps_s = [
        pltpu.async_copy(scores_hbm.at[pl.ds(j * qs, qs)],
                         scores_v.at[pl.ds(j * qs, qs)], sem_s)
        for j in range(4)
    ]
    cp_t0 = pltpu.async_copy(
        text_hbm.at[pl.ds(0, sp0), pl.ds(base, B_PER_W)],
        text_v.at[pl.ds(0, sp0)], sem_t0)
    cp_t1 = pltpu.async_copy(
        text_hbm.at[pl.ds(sp0, SEQ_LEN - sp0), pl.ds(base, B_PER_W)],
        text_v.at[pl.ds(sp0, SEQ_LEN - sp0)], sem_t1)

    lane = lax.iota(jnp.int32, LANES)
    zero16 = jnp.zeros((LANES,), jnp.int32)

    def t_body(t, carry):
        s0 = t * POOL_K
        tvec = zero16 + t
        for c in range(NCHUNK):
            acc = plsc.load_gather(scores_v, [text_v[s0, pl.ds(c * LANES, LANES)]])
            for k in range(1, POOL_K):
                idx = text_v[s0 + k, pl.ds(c * LANES, LANES)]
                acc = acc + plsc.load_gather(scores_v, [idx])
            plsc.store_scatter(out_v, [tvec, lane + c * LANES], acc)
        return carry

    for c_ in cps_s:
        c_.wait()
    cp_t0.wait()
    lax.fori_loop(0, 24, t_body, 0)
    cp_t1.wait()
    lax.fori_loop(24, T_OUT, t_body, 0)
    pltpu.sync_copy(out_v, out_hbm.at[:, wid])


def kernel(text, emb_table, fc_w, fc_b):
    scores = _compute_scores(emb_table, fc_w, fc_b)
    out_tb = _sc_pool(scores, text).reshape(T_OUT, BATCH)
    return out_tb.T.reshape(BATCH, T_OUT, 1)

# --- scband reference (transcript-rebuilt; emitter-appended) ---
"""Pipeline reference for scband-fast-text-22479858827769 (READ-ONLY COPY).

The authoritative reference and input builder live on the scoring server;
editing this copy changes nothing except your own understanding.
"""

import jax, jax.numpy as jnp
import numpy as np

VOCAB = 25000
EMB_DIM = 100
SEQ_LEN = 200
BATCH = 4096
POOL_K = 5


def setup_inputs(seed: int = 0) -> dict:
    key = jax.random.key(seed)
    k1, k2, k3, k4 = jax.random.split(key, 4)
    text = jax.random.randint(k1, (SEQ_LEN, BATCH), 0, VOCAB, dtype=jnp.int32)
    emb_table = jax.random.normal(k2, (VOCAB, EMB_DIM), dtype=jnp.float32)
    fc_w = jax.random.normal(k3, (1, EMB_DIM), dtype=jnp.float32) * (1.0 / np.sqrt(EMB_DIM))
    fc_b = jax.random.normal(k4, (1,), dtype=jnp.float32) * 0.01
    return {"text": text, "emb_table": emb_table, "fc_w": fc_w, "fc_b": fc_b}


def reference(text, emb_table, fc_w, fc_b):
    # nn.Embedding lookup: text [S, B] -> embedded [S, B, D]
    embedded = jnp.take(emb_table, text, axis=0)
    # permute(1, 0, 2) -> [B, S, D]
    embedded = jnp.transpose(embedded, (1, 0, 2))
    B, S, D = embedded.shape
    # reshape to [B, 1, S, D] then avg_pool2d kernel (5, 1) with default stride=(5,1)
    # equivalent to non-overlapping mean over 5-step windows along S
    pooled = embedded.reshape(B, S // POOL_K, POOL_K, D).mean(axis=2)  # [B, S//5, D]
    # fc: Linear(100, 1)
    out = pooled @ fc_w.T + fc_b  # [B, S//5, 1]
    return out

if __name__ == "__main__":
    import jax
    _d = setup_inputs()
    print(jax.jit(kernel)(*tuple(_d.values())))

</pallas_src>

<mosaic_0001>
#map = affine_map<(d0, d1) -> (0)>
#map1 = affine_map<(d0, d1) -> (0, 0)>
#map2 = affine_map<(d0, d1) -> (0, 0, 0)>
module attributes {stable_mosaic.version = 14 : i64} {
  func.func @_sc_pool(%arg0: i32, %arg1: i32, %arg2: memref<25600xf32, #tpu.memory_space<hbm>>, %arg3: memref<200x4096xi32, #tpu.memory_space<hbm>>, %arg4: memref<40x32x128xf32, #tpu.memory_space<hbm>>, %arg5: memref<25600xf32, #tpu.memory_space<vmem>>, %arg6: memref<200x128xi32, #tpu.memory_space<vmem>>, %arg7: memref<40x128xf32, #tpu.memory_space<vmem>>, %arg8: memref<!tpu.dma_semaphore, #tpu.memory_space<semaphore_mem>>, %arg9: memref<!tpu.dma_semaphore, #tpu.memory_space<semaphore_mem>>, %arg10: memref<!tpu.dma_semaphore, #tpu.memory_space<semaphore_mem>>) attributes {dimension_semantics = [#tpu.dimension_semantics<core_parallel>, #tpu.dimension_semantics<subcore_parallel>], iteration_bounds = array<i64: 2, 16>, scalar_prefetch = 0 : i64, scratch_operands = 6 : i64, tpu.core_type = #tpu.core_type<sc_vector_subcore>, window_params = [{transform_indices = #map}, {transform_indices = #map1}, {transform_indices = #map2}]} {
    %mul3A = arith.constant 2 : i32
    %mul3A_0 = arith.muli %arg1, %mul3A : i32
    %add3A = arith.addi %mul3A_0, %arg0 : i32
    %mul3A_1 = arith.constant 128 : i32
    %mul3A_2 = arith.muli %add3A, %mul3A_1 : i32
    %dma_start3A = arith.constant 0 : i32
    %dma_start3A_3 = tpu.memref_slice %arg5[%dma_start3A] : memref<25600xf32, #tpu.memory_space<vmem>> -> memref<6400xf32, #tpu.memory_space<vmem>>
    %dma_start3A_4 = arith.constant 0 : i32
    %dma_start3A_5 = tpu.memref_slice %arg2[%dma_start3A_4] : memref<25600xf32, #tpu.memory_space<hbm>> -> memref<6400xf32, #tpu.memory_space<hbm>>
    %dma_start3A_6 = arith.constant 0 : i32
    %dma_start3A_7 = tpu.memref_slice %arg5[%dma_start3A_6] : memref<25600xf32, #tpu.memory_space<vmem>> -> memref<6400xf32, #tpu.memory_space<vmem>>
    %dma_start3A_8 = arith.constant 0 : i32
    %dma_start3A_9 = tpu.memref_slice %arg2[%dma_start3A_8] : memref<25600xf32, #tpu.memory_space<hbm>> -> memref<6400xf32, #tpu.memory_space<hbm>>
    tpu.enqueue_dma source(%dma_start3A_9 : memref<6400xf32, #tpu.memory_space<hbm>>) target(%dma_start3A_7 : memref<6400xf32, #tpu.memory_space<vmem>>) target_semaphore(%arg8 : memref<!tpu.dma_semaphore, #tpu.memory_space<semaphore_mem>>)
    %dma_start3A_10 = arith.constant 6400 : i32
    %dma_start3A_11 = tpu.memref_slice %arg5[%dma_start3A_10] : memref<25600xf32, #tpu.memory_space<vmem>> -> memref<6400xf32, #tpu.memory_space<vmem>>
    %dma_start3A_12 = arith.constant 6400 : i32
    %dma_start3A_13 = tpu.memref_slice %arg2[%dma_start3A_12] : memref<25600xf32, #tpu.memory_space<hbm>> -> memref<6400xf32, #tpu.memory_space<hbm>>
    %dma_start3A_14 = arith.constant 6400 : i32
    %dma_start3A_15 = tpu.memref_slice %arg5[%dma_start3A_14] : memref<25600xf32, #tpu.memory_space<vmem>> -> memref<6400xf32, #tpu.memory_space<vmem>>
    %dma_start3A_16 = arith.constant 6400 : i32
    %dma_start3A_17 = tpu.memref_slice %arg2[%dma_start3A_16] : memref<25600xf32, #tpu.memory_space<hbm>> -> memref<6400xf32, #tpu.memory_space<hbm>>
    tpu.enqueue_dma source(%dma_start3A_17 : memref<6400xf32, #tpu.memory_space<hbm>>) target(%dma_start3A_15 : memref<6400xf32, #tpu.memory_space<vmem>>) target_semaphore(%arg8 : memref<!tpu.dma_semaphore, #tpu.memory_space<semaphore_mem>>)
    %dma_start3A_18 = arith.constant 12800 : i32
    %dma_start3A_19 = tpu.memref_slice %arg5[%dma_start3A_18] : memref<25600xf32, #tpu.memory_space<vmem>> -> memref<6400xf32, #tpu.memory_space<vmem>>
    %dma_start3A_20 = arith.constant 12800 : i32
    %dma_start3A_21 = tpu.memref_slice %arg2[%dma_start3A_20] : memref<25600xf32, #tpu.memory_space<hbm>> -> memref<6400xf32, #tpu.memory_space<hbm>>
    %dma_start3A_22 = arith.constant 12800 : i32
    %dma_start3A_23 = tpu.memref_slice %arg5[%dma_start3A_22] : memref<25600xf32, #tpu.memory_space<vmem>> -> memref<6400xf32, #tpu.memory_space<vmem>>
    %dma_start3A_24 = arith.constant 12800 : i32
    %dma_start3A_25 = tpu.memref_slice %arg2[%dma_start3A_24] : memref<25600xf32, #tpu.memory_space<hbm>> -> memref<6400xf32, #tpu.memory_space<hbm>>
    tpu.enqueue_dma source(%dma_start3A_25 : memref<6400xf32, #tpu.memory_space<hbm>>) target(%dma_start3A_23 : memref<6400xf32, #tpu.memory_space<vmem>>) target_semaphore(%arg8 : memref<!tpu.dma_semaphore, #tpu.memory_space<semaphore_mem>>)
    %dma_start3A_26 = arith.constant 19200 : i32
    %dma_start3A_27 = tpu.memref_slice %arg5[%dma_start3A_26] : memref<25600xf32, #tpu.memory_space<vmem>> -> memref<6400xf32, #tpu.memory_space<vmem>>
    %dma_start3A_28 = arith.constant 19200 : i32
    %dma_start3A_29 = tpu.memref_slice %arg2[%dma_start3A_28] : memref<25600xf32, #tpu.memory_space<hbm>> -> memref<6400xf32, #tpu.memory_space<hbm>>
    %dma_start3A_30 = arith.constant 19200 : i32
    %dma_start3A_31 = tpu.memref_slice %arg5[%dma_start3A_30] : memref<25600xf32, #tpu.memory_space<vmem>> -> memref<6400xf32, #tpu.memory_space<vmem>>
    %dma_start3A_32 = arith.constant 19200 : i32
    %dma_start3A_33 = tpu.memref_slice %arg2[%dma_start3A_32] : memref<25600xf32, #tpu.memory_space<hbm>> -> memref<6400xf32, #tpu.memory_space<hbm>>
    tpu.enqueue_dma source(%dma_start3A_33 : memref<6400xf32, #tpu.memory_space<hbm>>) target(%dma_start3A_31 : memref<6400xf32, #tpu.memory_space<vmem>>) target_semaphore(%arg8 : memref<!tpu.dma_semaphore, #tpu.memory_space<semaphore_mem>>)
    %dma_start3A_34 = arith.constant 0 : i32
    %dma_start3A_35 = arith.constant 0 : i32
    %dma_start3A_36 = tpu.memref_slice %arg6[%dma_start3A_34, %dma_start3A_35] : memref<200x128xi32, #tpu.memory_space<vmem>> -> memref<120x128xi32, #tpu.memory_space<vmem>>
    %dma_start3A_37 = arith.constant 0 : i32
    %dma_start3A_38 = tpu.memref_slice %arg3[%dma_start3A_37, %mul3A_2] : memref<200x4096xi32, #tpu.memory_space<hbm>> -> memref<120x128xi32, #tpu.memory_space<hbm>>
    %dma_start3A_39 = arith.constant 0 : i32
    %dma_start3A_40 = arith.constant 0 : i32
    %dma_start3A_41 = tpu.memref_slice %arg6[%dma_start3A_39, %dma_start3A_40] : memref<200x128xi32, #tpu.memory_space<vmem>> -> memref<120x128xi32, #tpu.memory_space<vmem>>
    %dma_start3A_42 = arith.constant 0 : i32
    %dma_start3A_43 = tpu.memref_slice %arg3[%dma_start3A_42, %mul3A_2] : memref<200x4096xi32, #tpu.memory_space<hbm>> -> memref<120x128xi32, #tpu.memory_space<hbm>>
    tpu.enqueue_dma source(%dma_start3A_43 : memref<120x128xi32, #tpu.memory_space<hbm>>) target(%dma_start3A_41 : memref<120x128xi32, #tpu.memory_space<vmem>>) target_semaphore(%arg9 : memref<!tpu.dma_semaphore, #tpu.memory_space<semaphore_mem>>)
    %dma_start3A_44 = arith.constant 120 : i32
    %dma_start3A_45 = arith.constant 0 : i32
    %dma_start3A_46 = tpu.memref_slice %arg6[%dma_start3A_44, %dma_start3A_45] : memref<200x128xi32, #tpu.memory_space<vmem>> -> memref<80x128xi32, #tpu.memory_space<vmem>>
    %dma_start3A_47 = arith.constant 120 : i32
    %dma_start3A_48 = tpu.memref_slice %arg3[%dma_start3A_47, %mul3A_2] : memref<200x4096xi32, #tpu.memory_space<hbm>> -> memref<80x128xi32, #tpu.memory_space<hbm>>
    %dma_start3A_49 = arith.constant 120 : i32
    %dma_start3A_50 = arith.constant 0 : i32
    %dma_start3A_51 = tpu.memref_slice %arg6[%dma_start3A_49, %dma_start3A_50] : memref<200x128xi32, #tpu.memory_space<vmem>> -> memref<80x128xi32, #tpu.memory_space<vmem>>
    %dma_start3A_52 = arith.constant 120 : i32
    %dma_start3A_53 = tpu.memref_slice %arg3[%dma_start3A_52, %mul3A_2] : memref<200x4096xi32, #tpu.memory_space<hbm>> -> memref<80x128xi32, #tpu.memory_space<hbm>>
    tpu.enqueue_dma source(%dma_start3A_53 : memref<80x128xi32, #tpu.memory_space<hbm>>) target(%dma_start3A_51 : memref<80x128xi32, #tpu.memory_space<vmem>>) target_semaphore(%arg10 : memref<!tpu.dma_semaphore, #tpu.memory_space<semaphore_mem>>)
    %iota3A = tpu.iota {dimensions = array<i32: 0>} : vector<16xi32>
    %broadcast_in_dim3A = arith.constant 0 : i32
    %broadcast_in_dim3A_54 = vector.broadcast %broadcast_in_dim3A : i32 to vector<16xi32>
    %dma_wait3A = arith.constant 0 : i32
    %dma_wait3A_55 = tpu.memref_slice %arg5[%dma_wait3A] : memref<25600xf32, #tpu.memory_space<vmem>> -> memref<6400xf32, #tpu.memory_space<vmem>>
    %dma_wait3A_56 = arith.constant 0 : i32
    %dma_wait3A_57 = tpu.memref_slice %arg2[%dma_wait3A_56] : memref<25600xf32, #tpu.memory_space<hbm>> -> memref<6400xf32, #tpu.memory_space<hbm>>
    %dma_wait3A_58 = arith.constant 0 : i32
    %dma_wait3A_59 = tpu.memref_slice %arg5[%dma_wait3A_58] : memref<25600xf32, #tpu.memory_space<vmem>> -> memref<6400xf32, #tpu.memory_space<vmem>>
    %dma_wait3A_60 = arith.constant 0 : i32
    %dma_wait3A_61 = tpu.memref_slice %arg2[%dma_wait3A_60] : memref<25600xf32, #tpu.memory_space<hbm>> -> memref<6400xf32, #tpu.memory_space<hbm>>
    tpu.wait_dma2 semaphore(%arg8 : memref<!tpu.dma_semaphore, #tpu.memory_space<semaphore_mem>>) src(%dma_wait3A_61 : memref<6400xf32, #tpu.memory_space<hbm>>) dst(%dma_wait3A_59 : memref<6400xf32, #tpu.memory_space<vmem>>)
    %dma_wait3A_62 = arith.constant 6400 : i32
    %dma_wait3A_63 = tpu.memref_slice %arg5[%dma_wait3A_62] : memref<25600xf32, #tpu.memory_space<vmem>> -> memref<6400xf32, #tpu.memory_space<vmem>>
    %dma_wait3A_64 = arith.constant 6400 : i32
    %dma_wait3A_65 = tpu.memref_slice %arg2[%dma_wait3A_64] : memref<25600xf32, #tpu.memory_space<hbm>> -> memref<6400xf32, #tpu.memory_space<hbm>>
    %dma_wait3A_66 = arith.constant 6400 : i32
    %dma_wait3A_67 = tpu.memref_slice %arg5[%dma_wait3A_66] : memref<25600xf32, #tpu.memory_space<vmem>> -> memref<6400xf32, #tpu.memory_space<vmem>>
    %dma_wait3A_68 = arith.constant 6400 : i32
    %dma_wait3A_69 = tpu.memref_slice %arg2[%dma_wait3A_68] : memref<25600xf32, #tpu.memory_space<hbm>> -> memref<6400xf32, #tpu.memory_space<hbm>>
    tpu.wait_dma2 semaphore(%arg8 : memref<!tpu.dma_semaphore, #tpu.memory_space<semaphore_mem>>) src(%dma_wait3A_69 : memref<6400xf32, #tpu.memory_space<hbm>>) dst(%dma_wait3A_67 : memref<6400xf32, #tpu.memory_space<vmem>>)
    %dma_wait3A_70 = arith.constant 12800 : i32
    %dma_wait3A_71 = tpu.memref_slice %arg5[%dma_wait3A_70] : memref<25600xf32, #tpu.memory_space<vmem>> -> memref<6400xf32, #tpu.memory_space<vmem>>
    %dma_wait3A_72 = arith.constant 12800 : i32
    %dma_wait3A_73 = tpu.memref_slice %arg2[%dma_wait3A_72] : memref<25600xf32, #tpu.memory_space<hbm>> -> memref<6400xf32, #tpu.memory_space<hbm>>
    %dma_wait3A_74 = arith.constant 12800 : i32
    %dma_wait3A_75 = tpu.memref_slice %arg5[%dma_wait3A_74] : memref<25600xf32, #tpu.memory_space<vmem>> -> memref<6400xf32, #tpu.memory_space<vmem>>
    %dma_wait3A_76 = arith.constant 12800 : i32
    %dma_wait3A_77 = tpu.memref_slice %arg2[%dma_wait3A_76] : memref<25600xf32, #tpu.memory_space<hbm>> -> memref<6400xf32, #tpu.memory_space<hbm>>
    tpu.wait_dma2 semaphore(%arg8 : memref<!tpu.dma_semaphore, #tpu.memory_space<semaphore_mem>>) src(%dma_wait3A_77 : memref<6400xf32, #tpu.memory_space<hbm>>) dst(%dma_wait3A_75 : memref<6400xf32, #tpu.memory_space<vmem>>)
    %dma_wait3A_78 = arith.constant 19200 : i32
    %dma_wait3A_79 = tpu.memref_slice %arg5[%dma_wait3A_78] : memref<25600xf32, #tpu.memory_space<vmem>> -> memref<6400xf32, #tpu.memory_space<vmem>>
    %dma_wait3A_80 = arith.constant 19200 : i32
    %dma_wait3A_81 = tpu.memref_slice %arg2[%dma_wait3A_80] : memref<25600xf32, #tpu.memory_space<hbm>> -> memref<6400xf32, #tpu.memory_space<hbm>>
    %dma_wait3A_82 = arith.constant 19200 : i32
    %dma_wait3A_83 = tpu.memref_slice %arg5[%dma_wait3A_82] : memref<25600xf32, #tpu.memory_space<vmem>> -> memref<6400xf32, #tpu.memory_space<vmem>>
    %dma_wait3A_84 = arith.constant 19200 : i32
    %dma_wait3A_85 = tpu.memref_slice %arg2[%dma_wait3A_84] : memref<25600xf32, #tpu.memory_space<hbm>> -> memref<6400xf32, #tpu.memory_space<hbm>>
    tpu.wait_dma2 semaphore(%arg8 : memref<!tpu.dma_semaphore, #tpu.memory_space<semaphore_mem>>) src(%dma_wait3A_85 : memref<6400xf32, #tpu.memory_space<hbm>>) dst(%dma_wait3A_83 : memref<6400xf32, #tpu.memory_space<vmem>>)
    %dma_wait3A_86 = arith.constant 0 : i32
    %dma_wait3A_87 = arith.constant 0 : i32
    %dma_wait3A_88 = tpu.memref_slice %arg6[%dma_wait3A_86, %dma_wait3A_87] : memref<200x128xi32, #tpu.memory_space<vmem>> -> memref<120x128xi32, #tpu.memory_space<vmem>>
    %dma_wait3A_89 = arith.constant 0 : i32
    %dma_wait3A_90 = tpu.memref_slice %arg3[%dma_wait3A_89, %mul3A_2] : memref<200x4096xi32, #tpu.memory_space<hbm>> -> memref<120x128xi32, #tpu.memory_space<hbm>>
    %dma_wait3A_91 = arith.constant 0 : i32
    %dma_wait3A_92 = arith.constant 0 : i32
    %dma_wait3A_93 = tpu.memref_slice %arg6[%dma_wait3A_91, %dma_wait3A_92] : memref<200x128xi32, #tpu.memory_space<vmem>> -> memref<120x128xi32, #tpu.memory_space<vmem>>
    %dma_wait3A_94 = arith.constant 0 : i32
    %dma_wait3A_95 = tpu.memref_slice %arg3[%dma_wait3A_94, %mul3A_2] : memref<200x4096xi32, #tpu.memory_space<hbm>> -> memref<120x128xi32, #tpu.memory_space<hbm>>
    tpu.wait_dma2 semaphore(%arg9 : memref<!tpu.dma_semaphore, #tpu.memory_space<semaphore_mem>>) src(%dma_wait3A_95 : memref<120x128xi32, #tpu.memory_space<hbm>>) dst(%dma_wait3A_93 : memref<120x128xi32, #tpu.memory_space<vmem>>)
    %scan3A = arith.constant 0 : i32
    %scan3A_96 = arith.constant 0 : i32
    %scan3A_97 = arith.constant 24 : i32
    %scan3A_98 = arith.addi %scan3A_96, %scan3A_97 : i32
    %scan3A_99 = arith.constant 1 : i32
    scf.for %scan3A_117 = %scan3A_96 to %scan3A_98 step %scan3A_99  : i32 {
      %mul3A_118 = arith.constant 5 : i32
      %mul3A_119 = arith.muli %scan3A_117, %mul3A_118 : i32
      %add3A_120 = vector.broadcast %scan3A_117 : i32 to vector<16xi32>
      %add3A_121 = arith.addi %broadcast_in_dim3A_54, %add3A_120 : vector<16xi32>
      %get3A = arith.index_cast %mul3A_119 : i32 to index
      %get3A_122 = arith.constant 0 : index
      %get3A_123 = tpu.vector_load %arg6[%get3A, %get3A_122] {strides = array<i32>} : memref<200x128xi32, #tpu.memory_space<vmem>>, vector<16xi32>,
      %gather3A = tpu.vector_load_idx %arg5[%get3A_123] : memref<25600xf32, #tpu.memory_space<vmem>>[vector<16xi32>], vector<16xf32>,
      %add3A_124 = arith.constant 1 : i32
      %add3A_125 = arith.addi %mul3A_119, %add3A_124 : i32
      %get3A_126 = arith.index_cast %add3A_125 : i32 to index
      %get3A_127 = arith.constant 0 : index
      %get3A_128 = tpu.vector_load %arg6[%get3A_126, %get3A_127] {strides = array<i32>} : memref<200x128xi32, #tpu.memory_space<vmem>>, vector<16xi32>,
      %gather3A_129 = tpu.vector_load_idx %arg5[%get3A_128] : memref<25600xf32, #tpu.memory_space<vmem>>[vector<16xi32>], vector<16xf32>,
      %add3A_130 = arith.addf %gather3A, %gather3A_129 : vector<16xf32>
      %add3A_131 = arith.constant 2 : i32
      %add3A_132 = arith.addi %mul3A_119, %add3A_131 : i32
      %get3A_133 = arith.index_cast %add3A_132 : i32 to index
      %get3A_134 = arith.constant 0 : index
      %get3A_135 = tpu.vector_load %arg6[%get3A_133, %get3A_134] {strides = array<i32>} : memref<200x128xi32, #tpu.memory_space<vmem>>, vector<16xi32>,
      %gather3A_136 = tpu.vector_load_idx %arg5[%get3A_135] : memref<25600xf32, #tpu.memory_space<vmem>>[vector<16xi32>], vector<16xf32>,
      %add3A_137 = arith.addf %add3A_130, %gather3A_136 : vector<16xf32>
      %add3A_138 = arith.constant 3 : i32
      %add3A_139 = arith.addi %mul3A_119, %add3A_138 : i32
      %get3A_140 = arith.index_cast %add3A_139 : i32 to index
      %get3A_141 = arith.constant 0 : index
      %get3A_142 = tpu.vector_load %arg6[%get3A_140, %get3A_141] {strides = array<i32>} : memref<200x128xi32, #tpu.memory_space<vmem>>, vector<16xi32>,
      %gather3A_143 = tpu.vector_load_idx %arg5[%get3A_142] : memref<25600xf32, #tpu.memory_space<vmem>>[vector<16xi32>], vector<16xf32>,
      %add3A_144 = arith.addf %add3A_137, %gather3A_143 : vector<16xf32>
      %add3A_145 = arith.constant 4 : i32
      %add3A_146 = arith.addi %mul3A_119, %add3A_145 : i32
      %get3A_147 = arith.index_cast %add3A_146 : i32 to index
      %get3A_148 = arith.constant 0 : index
      %get3A_149 = tpu.vector_load %arg6[%get3A_147, %get3A_148] {strides = array<i32>} : memref<200x128xi32, #tpu.memory_space<vmem>>, vector<16xi32>,
      %gather3A_150 = tpu.vector_load_idx %arg5[%get3A_149] : memref<25600xf32, #tpu.memory_space<vmem>>[vector<16xi32>], vector<16xf32>,
      %add3A_151 = arith.addf %add3A_144, %gather3A_150 : vector<16xf32>
      %add3A_152 = arith.constant 0 : i32
      %add3A_153 = vector.broadcast %add3A_152 : i32 to vector<16xi32>
      %add3A_154 = arith.addi %iota3A, %add3A_153 : vector<16xi32>
      tpu.vector_store_idx %arg7[%add3A_121, %add3A_154], %add3A_151 : memref<40x128xf32, #tpu.memory_space<vmem>>[vector<16xi32>, vector<16xi32>], vector<16xf32>,
      %get3A_155 = arith.index_cast %mul3A_119 : i32 to index
      %get3A_156 = arith.constant 16 : index
      %get3A_157 = tpu.vector_load %arg6[%get3A_155, %get3A_156] {strides = array<i32>} : memref<200x128xi32, #tpu.memory_space<vmem>>, vector<16xi32>,
      %gather3A_158 = tpu.vector_load_idx %arg5[%get3A_157] : memref<25600xf32, #tpu.memory_space<vmem>>[vector<16xi32>], vector<16xf32>,
      %add3A_159 = arith.constant 1 : i32
      %add3A_160 = arith.addi %mul3A_119, %add3A_159 : i32
      %get3A_161 = arith.index_cast %add3A_160 : i32 to index
      %get3A_162 = arith.constant 16 : index
      %get3A_163 = tpu.vector_load %arg6[%get3A_161, %get3A_162] {strides = array<i32>} : memref<200x128xi32, #tpu.memory_space<vmem>>, vector<16xi32>,
      %gather3A_164 = tpu.vector_load_idx %arg5[%get3A_163] : memref<25600xf32, #tpu.memory_space<vmem>>[vector<16xi32>], vector<16xf32>,
      %add3A_165 = arith.addf %gather3A_158, %gather3A_164 : vector<16xf32>
      %add3A_166 = arith.constant 2 : i32
      %add3A_167 = arith.addi %mul3A_119, %add3A_166 : i32
      %get3A_168 = arith.index_cast %add3A_167 : i32 to index
      %get3A_169 = arith.constant 16 : index
      %get3A_170 = tpu.vector_load %arg6[%get3A_168, %get3A_169] {strides = array<i32>} : memref<200x128xi32, #tpu.memory_space<vmem>>, vector<16xi32>,
      %gather3A_171 = tpu.vector_load_idx %arg5[%get3A_170] : memref<25600xf32, #tpu.memory_space<vmem>>[vector<16xi32>], vector<16xf32>,
      %add3A_172 = arith.addf %add3A_165, %gather3A_171 : vector<16xf32>
      %add3A_173 = arith.constant 3 : i32
      %add3A_174 = arith.addi %mul3A_119, %add3A_173 : i32
      %get3A_175 = arith.index_cast %add3A_174 : i32 to index
      %get3A_176 = arith.constant 16 : index
      %get3A_177 = tpu.vector_load %arg6[%get3A_175, %get3A_176] {strides = array<i32>} : memref<200x128xi32, #tpu.memory_space<vmem>>, vector<16xi32>,
      %gather3A_178 = tpu.vector_load_idx %arg5[%get3A_177] : memref<25600xf32, #tpu.memory_space<vmem>>[vector<16xi32>], vector<16xf32>,
      %add3A_179 = arith.addf %add3A_172, %gather3A_178 : vector<16xf32>
      %add3A_180 = arith.constant 4 : i32
      %add3A_181 = arith.addi %mul3A_119, %add3A_180 : i32
      %get3A_182 = arith.index_cast %add3A_181 : i32 to index
      %get3A_183 = arith.constant 16 : index
      %get3A_184 = tpu.vector_load %arg6[%get3A_182, %get3A_183] {strides = array<i32>} : memref<200x128xi32, #tpu.memory_space<vmem>>, vector<16xi32>,
      %gather3A_185 = tpu.vector_load_idx %arg5[%get3A_184] : memref<25600xf32, #tpu.memory_space<vmem>>[vector<16xi32>], vector<16xf32>,
      %add3A_186 = arith.addf %add3A_179, %gather3A_185 : vector<16xf32>
      %add3A_187 = arith.constant 16 : i32
      %add3A_188 = vector.broadcast %add3A_187 : i32 to vector<16xi32>
      %add3A_189 = arith.addi %iota3A, %add3A_188 : vector<16xi32>
      tpu.vector_store_idx %arg7[%add3A_121, %add3A_189], %add3A_186 : memref<40x128xf32, #tpu.memory_space<vmem>>[vector<16xi32>, vector<16xi32>], vector<16xf32>,
      %get3A_190 = arith.index_cast %mul3A_119 : i32 to index
      %get3A_191 = arith.constant 32 : index
      %get3A_192 = tpu.vector_load %arg6[%get3A_190, %get3A_191] {strides = array<i32>} : memref<200x128xi32, #tpu.memory_space<vmem>>, vector<16xi32>,
      %gather3A_193 = tpu.vector_load_idx %arg5[%get3A_192] : memref<25600xf32, #tpu.memory_space<vmem>>[vector<16xi32>], vector<16xf32>,
      %add3A_194 = arith.constant 1 : i32
      %add3A_195 = arith.addi %mul3A_119, %add3A_194 : i32
      %get3A_196 = arith.index_cast %add3A_195 : i32 to index
      %get3A_197 = arith.constant 32 : index
      %get3A_198 = tpu.vector_load %arg6[%get3A_196, %get3A_197] {strides = array<i32>} : memref<200x128xi32, #tpu.memory_space<vmem>>, vector<16xi32>,
      %gather3A_199 = tpu.vector_load_idx %arg5[%get3A_198] : memref<25600xf32, #tpu.memory_space<vmem>>[vector<16xi32>], vector<16xf32>,
      %add3A_200 = arith.addf %gather3A_193, %gather3A_199 : vector<16xf32>
      %add3A_201 = arith.constant 2 : i32
      %add3A_202 = arith.addi %mul3A_119, %add3A_201 : i32
      %get3A_203 = arith.index_cast %add3A_202 : i32 to index
      %get3A_204 = arith.constant 32 : index
      %get3A_205 = tpu.vector_load %arg6[%get3A_203, %get3A_204] {strides = array<i32>} : memref<200x128xi32, #tpu.memory_space<vmem>>, vector<16xi32>,
      %gather3A_206 = tpu.vector_load_idx %arg5[%get3A_205] : memref<25600xf32, #tpu.memory_space<vmem>>[vector<16xi32>], vector<16xf32>,
      %add3A_207 = arith.addf %add3A_200, %gather3A_206 : vector<16xf32>
      %add3A_208 = arith.constant 3 : i32
      %add3A_209 = arith.addi %mul3A_119, %add3A_208 : i32
      %get3A_210 = arith.index_cast %add3A_209 : i32 to index
      %get3A_211 = arith.constant 32 : index
      %get3A_212 = tpu.vector_load %arg6[%get3A_210, %get3A_211] {strides = array<i32>} : memref<200x128xi32, #tpu.memory_space<vmem>>, vector<16xi32>,
      %gather3A_213 = tpu.vector_load_idx %arg5[%get3A_212] : memref<25600xf32, #tpu.memory_space<vmem>>[vector<16xi32>], vector<16xf32>,
      %add3A_214 = arith.addf %add3A_207, %gather3A_213 : vector<16xf32>
      %add3A_215 = arith.constant 4 : i32
      %add3A_216 = arith.addi %mul3A_119, %add3A_215 : i32
      %get3A_217 = arith.index_cast %add3A_216 : i32 to index
      %get3A_218 = arith.constant 32 : index
      %get3A_219 = tpu.vector_load %arg6[%get3A_217, %get3A_218] {strides = array<i32>} : memref<200x128xi32, #tpu.memory_space<vmem>>, vector<16xi32>,
      %gather3A_220 = tpu.vector_load_idx %arg5[%get3A_219] : memref<25600xf32, #tpu.memory_space<vmem>>[vector<16xi32>], vector<16xf32>,
      %add3A_221 = arith.addf %add3A_214, %gather3A_220 : vector<16xf32>
      %add3A_222 = arith.constant 32 : i32
      %add3A_223 = vector.broadcast %add3A_222 : i32 to vector<16xi32>
      %add3A_224 = arith.addi %iota3A, %add3A_223 : vector<16xi32>
      tpu.vector_store_idx %arg7[%add3A_121, %add3A_224], %add3A_221 : memref<40x128xf32, #tpu.memory_space<vmem>>[vector<16xi32>, vector<16xi32>], vector<16xf32>,
      %get3A_225 = arith.index_cast %mul3A_119 : i32 to index
      %get3A_226 = arith.constant 48 : index
      %get3A_227 = tpu.vector_load %arg6[%get3A_225, %get3A_226] {strides = array<i32>} : memref<200x128xi32, #tpu.memory_space<vmem>>, vector<16xi32>,
      %gather3A_228 = tpu.vector_load_idx %arg5[%get3A_227] : memref<25600xf32, #tpu.memory_space<vmem>>[vector<16xi32>], vector<16xf32>,
      %add3A_229 = arith.constant 1 : i32
      %add3A_230 = arith.addi %mul3A_119, %add3A_229 : i32
      %get3A_231 = arith.index_cast %add3A_230 : i32 to index
      %get3A_232 = arith.constant 48 : index
      %get3A_233 = tpu.vector_load %arg6[%get3A_231, %get3A_232] {strides = array<i32>} : memref<200x128xi32, #tpu.memory_space<vmem>>, vector<16xi32>,
      %gather3A_234 = tpu.vector_load_idx %arg5[%get3A_233] : memref<25600xf32, #tpu.memory_space<vmem>>[vector<16xi32>], vector<16xf32>,
      %add3A_235 = arith.addf %gather3A_228, %gather3A_234 : vector<16xf32>
      %add3A_236 = arith.constant 2 : i32
      %add3A_237 = arith.addi %mul3A_119, %add3A_236 : i32
      %get3A_238 = arith.index_cast %add3A_237 : i32 to index
      %get3A_239 = arith.constant 48 : index
      %get3A_240 = tpu.vector_load %arg6[%get3A_238, %get3A_239] {strides = array<i32>} : memref<200x128xi32, #tpu.memory_space<vmem>>, vector<16xi32>,
      %gather3A_241 = tpu.vector_load_idx %arg5[%get3A_240] : memref<25600xf32, #tpu.memory_space<vmem>>[vector<16xi32>], vector<16xf32>,
      %add3A_242 = arith.addf %add3A_235, %gather3A_241 : vector<16xf32>
      %add3A_243 = arith.constant 3 : i32
      %add3A_244 = arith.addi %mul3A_119, %add3A_243 : i32
      %get3A_245 = arith.index_cast %add3A_244 : i32 to index
      %get3A_246 = arith.constant 48 : index
      %get3A_247 = tpu.vector_load %arg6[%get3A_245, %get3A_246] {strides = array<i32>} : memref<200x128xi32, #tpu.memory_space<vmem>>, vector<16xi32>,
      %gather3A_248 = tpu.vector_load_idx %arg5[%get3A_247] : memref<25600xf32, #tpu.memory_space<vmem>>[vector<16xi32>], vector<16xf32>,
      %add3A_249 = arith.addf %add3A_242, %gather3A_248 : vector<16xf32>
      %add3A_250 = arith.constant 4 : i32
      %add3A_251 = arith.addi %mul3A_119, %add3A_250 : i32
      %get3A_252 = arith.index_cast %add3A_251 : i32 to index
      %get3A_253 = arith.constant 48 : index
      %get3A_254 = tpu.vector_load %arg6[%get3A_252, %get3A_253] {strides = array<i32>} : memref<200x128xi32, #tpu.memory_space<vmem>>, vector<16xi32>,
      %gather3A_255 = tpu.vector_load_idx %arg5[%get3A_254] : memref<25600xf32, #tpu.memory_space<vmem>>[vector<16xi32>], vector<16xf32>,
      %add3A_256 = arith.addf %add3A_249, %gather3A_255 : vector<16xf32>
      %add3A_257 = arith.constant 48 : i32
      %add3A_258 = vector.broadcast %add3A_257 : i32 to vector<16xi32>
      %add3A_259 = arith.addi %iota3A, %add3A_258 : vector<16xi32>
      tpu.vector_store_idx %arg7[%add3A_121, %add3A_259], %add3A_256 : memref<40x128xf32, #tpu.memory_space<vmem>>[vector<16xi32>, vector<16xi32>], vector<16xf32>,
      %get3A_260 = arith.index_cast %mul3A_119 : i32 to index
      %get3A_261 = arith.constant 64 : index
      %get3A_262 = tpu.vector_load %arg6[%get3A_260, %get3A_261] {strides = array<i32>} : memref<200x128xi32, #tpu.memory_space<vmem>>, vector<16xi32>,
      %gather3A_263 = tpu.vector_load_idx %arg5[%get3A_262] : memref<25600xf32, #tpu.memory_space<vmem>>[vector<16xi32>], vector<16xf32>,
      %add3A_264 = arith.constant 1 : i32
      %add3A_265 = arith.addi %mul3A_119, %add3A_264 : i32
      %get3A_266 = arith.index_cast %add3A_265 : i32 to index
      %get3A_267 = arith.constant 64 : index
      %get3A_268 = tpu.vector_load %arg6[%get3A_266, %get3A_267] {strides = array<i32>} : memref<200x128xi32, #tpu.memory_space<vmem>>, vector<16xi32>,
      %gather3A_269 = tpu.vector_load_idx %arg5[%get3A_268] : memref<25600xf32, #tpu.memory_space<vmem>>[vector<16xi32>], vector<16xf32>,
      %add3A_270 = arith.addf %gather3A_263, %gather3A_269 : vector<16xf32>
      %add3A_271 = arith.constant 2 : i32
      %add3A_272 = arith.addi %mul3A_119, %add3A_271 : i32
      %get3A_273 = arith.index_cast %add3A_272 : i32 to index
      %get3A_274 = arith.constant 64 : index
      %get3A_275 = tpu.vector_load %arg6[%get3A_273, %get3A_274] {strides = array<i32>} : memref<200x128xi32, #tpu.memory_space<vmem>>, vector<16xi32>,
      %gather3A_276 = tpu.vector_load_idx %arg5[%get3A_275] : memref<25600xf32, #tpu.memory_space<vmem>>[vector<16xi32>], vector<16xf32>,
      %add3A_277 = arith.addf %add3A_270, %gather3A_276 : vector<16xf32>
      %add3A_278 = arith.constant 3 : i32
      %add3A_279 = arith.addi %mul3A_119, %add3A_278 : i32
      %get3A_280 = arith.index_cast %add3A_279 : i32 to index
      %get3A_281 = arith.constant 64 : index
      %get3A_282 = tpu.vector_load %arg6[%get3A_280, %get3A_281] {strides = array<i32>} : memref<200x128xi32, #tpu.memory_space<vmem>>, vector<16xi32>,
      %gather3A_283 = tpu.vector_load_idx %arg5[%get3A_282] : memref<25600xf32, #tpu.memory_space<vmem>>[vector<16xi32>], vector<16xf32>,
      %add3A_284 = arith.addf %add3A_277, %gather3A_283 : vector<16xf32>
      %add3A_285 = arith.constant 4 : i32
      %add3A_286 = arith.addi %mul3A_119, %add3A_285 : i32
      %get3A_287 = arith.index_cast %add3A_286 : i32 to index
      %get3A_288 = arith.constant 64 : index
      %get3A_289 = tpu.vector_load %arg6[%get3A_287, %get3A_288] {strides = array<i32>} : memref<200x128xi32, #tpu.memory_space<vmem>>, vector<16xi32>,
      %gather3A_290 = tpu.vector_load_idx %arg5[%get3A_289] : memref<25600xf32, #tpu.memory_space<vmem>>[vector<16xi32>], vector<16xf32>,
      %add3A_291 = arith.addf %add3A_284, %gather3A_290 : vector<16xf32>
      %add3A_292 = arith.constant 64 : i32
      %add3A_293 = vector.broadcast %add3A_292 : i32 to vector<16xi32>
      %add3A_294 = arith.addi %iota3A, %add3A_293 : vector<16xi32>
      tpu.vector_store_idx %arg7[%add3A_121, %add3A_294], %add3A_291 : memref<40x128xf32, #tpu.memory_space<vmem>>[vector<16xi32>, vector<16xi32>], vector<16xf32>,
      %get3A_295 = arith.index_cast %mul3A_119 : i32 to index
      %get3A_296 = arith.constant 80 : index
      %get3A_297 = tpu.vector_load %arg6[%get3A_295, %get3A_296] {strides = array<i32>} : memref<200x128xi32, #tpu.memory_space<vmem>>, vector<16xi32>,
      %gather3A_298 = tpu.vector_load_idx %arg5[%get3A_297] : memref<25600xf32, #tpu.memory_space<vmem>>[vector<16xi32>], vector<16xf32>,
      %add3A_299 = arith.constant 1 : i32
      %add3A_300 = arith.addi %mul3A_119, %add3A_299 : i32
      %get3A_301 = arith.index_cast %add3A_300 : i32 to index
      %get3A_302 = arith.constant 80 : index
      %get3A_303 = tpu.vector_load %arg6[%get3A_301, %get3A_302] {strides = array<i32>} : memref<200x128xi32, #tpu.memory_space<vmem>>, vector<16xi32>,
      %gather3A_304 = tpu.vector_load_idx %arg5[%get3A_303] : memref<25600xf32, #tpu.memory_space<vmem>>[vector<16xi32>], vector<16xf32>,
      %add3A_305 = arith.addf %gather3A_298, %gather3A_304 : vector<16xf32>
      %add3A_306 = arith.constant 2 : i32
      %add3A_307 = arith.addi %mul3A_119, %add3A_306 : i32
      %get3A_308 = arith.index_cast %add3A_307 : i32 to index
      %get3A_309 = arith.constant 80 : index
      %get3A_310 = tpu.vector_load %arg6[%get3A_308, %get3A_309] {strides = array<i32>} : memref<200x128xi32, #tpu.memory_space<vmem>>, vector<16xi32>,
      %gather3A_311 = tpu.vector_load_idx %arg5[%get3A_310] : memref<25600xf32, #tpu.memory_space<vmem>>[vector<16xi32>], vector<16xf32>,
      %add3A_312 = arith.addf %add3A_305, %gather3A_311 : vector<16xf32>
      %add3A_313 = arith.constant 3 : i32
      %add3A_314 = arith.addi %mul3A_119, %add3A_313 : i32
      %get3A_315 = arith.index_cast %add3A_314 : i32 to index
      %get3A_316 = arith.constant 80 : index
      %get3A_317 = tpu.vector_load %arg6[%get3A_315, %get3A_316] {strides = array<i32>} : memref<200x128xi32, #tpu.memory_space<vmem>>, vector<16xi32>,
      %gather3A_318 = tpu.vector_load_idx %arg5[%get3A_317] : memref<25600xf32, #tpu.memory_space<vmem>>[vector<16xi32>], vector<16xf32>,
      %add3A_319 = arith.addf %add3A_312, %gather3A_318 : vector<16xf32>
      %add3A_320 = arith.constant 4 : i32
      %add3A_321 = arith.addi %mul3A_119, %add3A_320 : i32
      %get3A_322 = arith.index_cast %add3A_321 : i32 to index
      %get3A_323 = arith.constant 80 : index
      %get3A_324 = tpu.vector_load %arg6[%get3A_322, %get3A_323] {strides = array<i32>} : memref<200x128xi32, #tpu.memory_space<vmem>>, vector<16xi32>,
      %gather3A_325 = tpu.vector_load_idx %arg5[%get3A_324] : memref<25600xf32, #tpu.memory_space<vmem>>[vector<16xi32>], vector<16xf32>,
      %add3A_326 = arith.addf %add3A_319, %gather3A_325 : vector<16xf32>
      %add3A_327 = arith.constant 80 : i32
      %add3A_328 = vector.broadcast %add3A_327 : i32 to vector<16xi32>
      %add3A_329 = arith.addi %iota3A, %add3A_328 : vector<16xi32>
      tpu.vector_store_idx %arg7[%add3A_121, %add3A_329], %add3A_326 : memref<40x128xf32, #tpu.memory_space<vmem>>[vector<16xi32>, vector<16xi32>], vector<16xf32>,
      %get3A_330 = arith.index_cast %mul3A_119 : i32 to index
      %get3A_331 = arith.constant 96 : index
      %get3A_332 = tpu.vector_load %arg6[%get3A_330, %get3A_331] {strides = array<i32>} : memref<200x128xi32, #tpu.memory_space<vmem>>, vector<16xi32>,
      %gather3A_333 = tpu.vector_load_idx %arg5[%get3A_332] : memref<25600xf32, #tpu.memory_space<vmem>>[vector<16xi32>], vector<16xf32>,
      %add3A_334 = arith.constant 1 : i32
      %add3A_335 = arith.addi %mul3A_119, %add3A_334 : i32
      %get3A_336 = arith.index_cast %add3A_335 : i32 to index
      %get3A_337 = arith.constant 96 : index
      %get3A_338 = tpu.vector_load %arg6[%get3A_336, %get3A_337] {strides = array<i32>} : memref<200x128xi32, #tpu.memory_space<vmem>>, vector<16xi32>,
      %gather3A_339 = tpu.vector_load_idx %arg5[%get3A_338] : memref<25600xf32, #tpu.memory_space<vmem>>[vector<16xi32>], vector<16xf32>,
      %add3A_340 = arith.addf %gather3A_333, %gather3A_339 : vector<16xf32>
      %add3A_341 = arith.constant 2 : i32
      %add3A_342 = arith.addi %mul3A_119, %add3A_341 : i32
      %get3A_343 = arith.index_cast %add3A_342 : i32 to index
      %get3A_344 = arith.constant 96 : index
      %get3A_345 = tpu.vector_load %arg6[%get3A_343, %get3A_344] {strides = array<i32>} : memref<200x128xi32, #tpu.memory_space<vmem>>, vector<16xi32>,
      %gather3A_346 = tpu.vector_load_idx %arg5[%get3A_345] : memref<25600xf32, #tpu.memory_space<vmem>>[vector<16xi32>], vector<16xf32>,
      %add3A_347 = arith.addf %add3A_340, %gather3A_346 : vector<16xf32>
      %add3A_348 = arith.constant 3 : i32
      %add3A_349 = arith.addi %mul3A_119, %add3A_348 : i32
      %get3A_350 = arith.index_cast %add3A_349 : i32 to index
      %get3A_351 = arith.constant 96 : index
      %get3A_352 = tpu.vector_load %arg6[%get3A_350, %get3A_351] {strides = array<i32>} : memref<200x128xi32, #tpu.memory_space<vmem>>, vector<16xi32>,
      %gather3A_353 = tpu.vector_load_idx %arg5[%get3A_352] : memref<25600xf32, #tpu.memory_space<vmem>>[vector<16xi32>], vector<16xf32>,
      %add3A_354 = arith.addf %add3A_347, %gather3A_353 : vector<16xf32>
      %add3A_355 = arith.constant 4 : i32
      %add3A_356 = arith.addi %mul3A_119, %add3A_355 : i32
      %get3A_357 = arith.index_cast %add3A_356 : i32 to index
      %get3A_358 = arith.constant 96 : index
      %get3A_359 = tpu.vector_load %arg6[%get3A_357, %get3A_358] {strides = array<i32>} : memref<200x128xi32, #tpu.memory_space<vmem>>, vector<16xi32>,
      %gather3A_360 = tpu.vector_load_idx %arg5[%get3A_359] : memref<25600xf32, #tpu.memory_space<vmem>>[vector<16xi32>], vector<16xf32>,
      %add3A_361 = arith.addf %add3A_354, %gather3A_360 : vector<16xf32>
      %add3A_362 = arith.constant 96 : i32
      %add3A_363 = vector.broadcast %add3A_362 : i32 to vector<16xi32>
      %add3A_364 = arith.addi %iota3A, %add3A_363 : vector<16xi32>
      tpu.vector_store_idx %arg7[%add3A_121, %add3A_364], %add3A_361 : memref<40x128xf32, #tpu.memory_space<vmem>>[vector<16xi32>, vector<16xi32>], vector<16xf32>,
      %get3A_365 = arith.index_cast %mul3A_119 : i32 to index
      %get3A_366 = arith.constant 112 : index
      %get3A_367 = tpu.vector_load %arg6[%get3A_365, %get3A_366] {strides = array<i32>} : memref<200x128xi32, #tpu.memory_space<vmem>>, vector<16xi32>,
      %gather3A_368 = tpu.vector_load_idx %arg5[%get3A_367] : memref<25600xf32, #tpu.memory_space<vmem>>[vector<16xi32>], vector<16xf32>,
      %add3A_369 = arith.constant 1 : i32
      %add3A_370 = arith.addi %mul3A_119, %add3A_369 : i32
      %get3A_371 = arith.index_cast %add3A_370 : i32 to index
      %get3A_372 = arith.constant 112 : index
      %get3A_373 = tpu.vector_load %arg6[%get3A_371, %get3A_372] {strides = array<i32>} : memref<200x128xi32, #tpu.memory_space<vmem>>, vector<16xi32>,
      %gather3A_374 = tpu.vector_load_idx %arg5[%get3A_373] : memref<25600xf32, #tpu.memory_space<vmem>>[vector<16xi32>], vector<16xf32>,
      %add3A_375 = arith.addf %gather3A_368, %gather3A_374 : vector<16xf32>
      %add3A_376 = arith.constant 2 : i32
      %add3A_377 = arith.addi %mul3A_119, %add3A_376 : i32
      %get3A_378 = arith.index_cast %add3A_377 : i32 to index
      %get3A_379 = arith.constant 112 : index
      %get3A_380 = tpu.vector_load %arg6[%get3A_378, %get3A_379] {strides = array<i32>} : memref<200x128xi32, #tpu.memory_space<vmem>>, vector<16xi32>,
      %gather3A_381 = tpu.vector_load_idx %arg5[%get3A_380] : memref<25600xf32, #tpu.memory_space<vmem>>[vector<16xi32>], vector<16xf32>,
      %add3A_382 = arith.addf %add3A_375, %gather3A_381 : vector<16xf32>
      %add3A_383 = arith.constant 3 : i32
      %add3A_384 = arith.addi %mul3A_119, %add3A_383 : i32
      %get3A_385 = arith.index_cast %add3A_384 : i32 to index
      %get3A_386 = arith.constant 112 : index
      %get3A_387 = tpu.vector_load %arg6[%get3A_385, %get3A_386] {strides = array<i32>} : memref<200x128xi32, #tpu.memory_space<vmem>>, vector<16xi32>,
      %gather3A_388 = tpu.vector_load_idx %arg5[%get3A_387] : memref<25600xf32, #tpu.memory_space<vmem>>[vector<16xi32>], vector<16xf32>,
      %add3A_389 = arith.addf %add3A_382, %gather3A_388 : vector<16xf32>
      %add3A_390 = arith.constant 4 : i32
      %add3A_391 = arith.addi %mul3A_119, %add3A_390 : i32
      %get3A_392 = arith.index_cast %add3A_391 : i32 to index
      %get3A_393 = arith.constant 112 : index
      %get3A_394 = tpu.vector_load %arg6[%get3A_392, %get3A_393] {strides = array<i32>} : memref<200x128xi32, #tpu.memory_space<vmem>>, vector<16xi32>,
      %gather3A_395 = tpu.vector_load_idx %arg5[%get3A_394] : memref<25600xf32, #tpu.memory_space<vmem>>[vector<16xi32>], vector<16xf32>,
      %add3A_396 = arith.addf %add3A_389, %gather3A_395 : vector<16xf32>
      %add3A_397 = arith.constant 112 : i32
      %add3A_398 = vector.broadcast %add3A_397 : i32 to vector<16xi32>
      %add3A_399 = arith.addi %iota3A, %add3A_398 : vector<16xi32>
      tpu.vector_store_idx %arg7[%add3A_121, %add3A_399], %add3A_396 : memref<40x128xf32, #tpu.memory_space<vmem>>[vector<16xi32>, vector<16xi32>], vector<16xf32>,
    }
    %scan3A_100 = arith.constant 24 : i32
    %dma_wait3A_101 = arith.constant 120 : i32
    %dma_wait3A_102 = arith.constant 0 : i32
    %dma_wait3A_103 = tpu.memref_slice %arg6[%dma_wait3A_101, %dma_wait3A_102] : memref<200x128xi32, #tpu.memory_space<vmem>> -> memref<80x128xi32, #tpu.memory_space<vmem>>
    %dma_wait3A_104 = arith.constant 120 : i32
    %dma_wait3A_105 = tpu.memref_slice %arg3[%dma_wait3A_104, %mul3A_2] : memref<200x4096xi32, #tpu.memory_space<hbm>> -> memref<80x128xi32, #tpu.memory_space<hbm>>
    %dma_wait3A_106 = arith.constant 120 : i32
    %dma_wait3A_107 = arith.constant 0 : i32
    %dma_wait3A_108 = tpu.memref_slice %arg6[%dma_wait3A_106, %dma_wait3A_107] : memref<200x128xi32, #tpu.memory_space<vmem>> -> memref<80x128xi32, #tpu.memory_space<vmem>>
    %dma_wait3A_109 = arith.constant 120 : i32
    %dma_wait3A_110 = tpu.memref_slice %arg3[%dma_wait3A_109, %mul3A_2] : memref<200x4096xi32, #tpu.memory_space<hbm>> -> memref<80x128xi32, #tpu.memory_space<hbm>>
    tpu.wait_dma2 semaphore(%arg10 : memref<!tpu.dma_semaphore, #tpu.memory_space<semaphore_mem>>) src(%dma_wait3A_110 : memref<80x128xi32, #tpu.memory_space<hbm>>) dst(%dma_wait3A_108 : memref<80x128xi32, #tpu.memory_space<vmem>>)
    %scan3A_111 = arith.constant 0 : i32
    %scan3A_112 = arith.constant 24 : i32
    %scan3A_113 = arith.constant 16 : i32
    %scan3A_114 = arith.addi %scan3A_112, %scan3A_113 : i32
    %scan3A_115 = arith.constant 1 : i32
    scf.for %scan3A_117 = %scan3A_112 to %scan3A_114 step %scan3A_115  : i32 {
      %mul3A_118 = arith.constant 5 : i32
      %mul3A_119 = arith.muli %scan3A_117, %mul3A_118 : i32
      %add3A_120 = vector.broadcast %scan3A_117 : i32 to vector<16xi32>
      %add3A_121 = arith.addi %broadcast_in_dim3A_54, %add3A_120 : vector<16xi32>
      %get3A = arith.index_cast %mul3A_119 : i32 to index
      %get3A_122 = arith.constant 0 : index
      %get3A_123 = tpu.vector_load %arg6[%get3A, %get3A_122] {strides = array<i32>} : memref<200x128xi32, #tpu.memory_space<vmem>>, vector<16xi32>,
      %gather3A = tpu.vector_load_idx %arg5[%get3A_123] : memref<25600xf32, #tpu.memory_space<vmem>>[vector<16xi32>], vector<16xf32>,
      %add3A_124 = arith.constant 1 : i32
      %add3A_125 = arith.addi %mul3A_119, %add3A_124 : i32
      %get3A_126 = arith.index_cast %add3A_125 : i32 to index
      %get3A_127 = arith.constant 0 : index
      %get3A_128 = tpu.vector_load %arg6[%get3A_126, %get3A_127] {strides = array<i32>} : memref<200x128xi32, #tpu.memory_space<vmem>>, vector<16xi32>,
      %gather3A_129 = tpu.vector_load_idx %arg5[%get3A_128] : memref<25600xf32, #tpu.memory_space<vmem>>[vector<16xi32>], vector<16xf32>,
      %add3A_130 = arith.addf %gather3A, %gather3A_129 : vector<16xf32>
      %add3A_131 = arith.constant 2 : i32
      %add3A_132 = arith.addi %mul3A_119, %add3A_131 : i32
      %get3A_133 = arith.index_cast %add3A_132 : i32 to index
      %get3A_134 = arith.constant 0 : index
      %get3A_135 = tpu.vector_load %arg6[%get3A_133, %get3A_134] {strides = array<i32>} : memref<200x128xi32, #tpu.memory_space<vmem>>, vector<16xi32>,
      %gather3A_136 = tpu.vector_load_idx %arg5[%get3A_135] : memref<25600xf32, #tpu.memory_space<vmem>>[vector<16xi32>], vector<16xf32>,
      %add3A_137 = arith.addf %add3A_130, %gather3A_136 : vector<16xf32>
      %add3A_138 = arith.constant 3 : i32
      %add3A_139 = arith.addi %mul3A_119, %add3A_138 : i32
      %get3A_140 = arith.index_cast %add3A_139 : i32 to index
      %get3A_141 = arith.constant 0 : index
      %get3A_142 = tpu.vector_load %arg6[%get3A_140, %get3A_141] {strides = array<i32>} : memref<200x128xi32, #tpu.memory_space<vmem>>, vector<16xi32>,
      %gather3A_143 = tpu.vector_load_idx %arg5[%get3A_142] : memref<25600xf32, #tpu.memory_space<vmem>>[vector<16xi32>], vector<16xf32>,
      %add3A_144 = arith.addf %add3A_137, %gather3A_143 : vector<16xf32>
      %add3A_145 = arith.constant 4 : i32
      %add3A_146 = arith.addi %mul3A_119, %add3A_145 : i32
      %get3A_147 = arith.index_cast %add3A_146 : i32 to index
      %get3A_148 = arith.constant 0 : index
      %get3A_149 = tpu.vector_load %arg6[%get3A_147, %get3A_148] {strides = array<i32>} : memref<200x128xi32, #tpu.memory_space<vmem>>, vector<16xi32>,
      %gather3A_150 = tpu.vector_load_idx %arg5[%get3A_149] : memref<25600xf32, #tpu.memory_space<vmem>>[vector<16xi32>], vector<16xf32>,
      %add3A_151 = arith.addf %add3A_144, %gather3A_150 : vector<16xf32>
      %add3A_152 = arith.constant 0 : i32
      %add3A_153 = vector.broadcast %add3A_152 : i32 to vector<16xi32>
      %add3A_154 = arith.addi %iota3A, %add3A_153 : vector<16xi32>
      tpu.vector_store_idx %arg7[%add3A_121, %add3A_154], %add3A_151 : memref<40x128xf32, #tpu.memory_space<vmem>>[vector<16xi32>, vector<16xi32>], vector<16xf32>,
      %get3A_155 = arith.index_cast %mul3A_119 : i32 to index
      %get3A_156 = arith.constant 16 : index
      %get3A_157 = tpu.vector_load %arg6[%get3A_155, %get3A_156] {strides = array<i32>} : memref<200x128xi32, #tpu.memory_space<vmem>>, vector<16xi32>,
      %gather3A_158 = tpu.vector_load_idx %arg5[%get3A_157] : memref<25600xf32, #tpu.memory_space<vmem>>[vector<16xi32>], vector<16xf32>,
      %add3A_159 = arith.constant 1 : i32
      %add3A_160 = arith.addi %mul3A_119, %add3A_159 : i32
      %get3A_161 = arith.index_cast %add3A_160 : i32 to index
      %get3A_162 = arith.constant 16 : index
      %get3A_163 = tpu.vector_load %arg6[%get3A_161, %get3A_162] {strides = array<i32>} : memref<200x128xi32, #tpu.memory_space<vmem>>, vector<16xi32>,
      %gather3A_164 = tpu.vector_load_idx %arg5[%get3A_163] : memref<25600xf32, #tpu.memory_space<vmem>>[vector<16xi32>], vector<16xf32>,
      %add3A_165 = arith.addf %gather3A_158, %gather3A_164 : vector<16xf32>
      %add3A_166 = arith.constant 2 : i32
      %add3A_167 = arith.addi %mul3A_119, %add3A_166 : i32
      %get3A_168 = arith.index_cast %add3A_167 : i32 to index
      %get3A_169 = arith.constant 16 : index
      %get3A_170 = tpu.vector_load %arg6[%get3A_168, %get3A_169] {strides = array<i32>} : memref<200x128xi32, #tpu.memory_space<vmem>>, vector<16xi32>,
      %gather3A_171 = tpu.vector_load_idx %arg5[%get3A_170] : memref<25600xf32, #tpu.memory_space<vmem>>[vector<16xi32>], vector<16xf32>,
      %add3A_172 = arith.addf %add3A_165, %gather3A_171 : vector<16xf32>
      %add3A_173 = arith.constant 3 : i32
      %add3A_174 = arith.addi %mul3A_119, %add3A_173 : i32
      %get3A_175 = arith.index_cast %add3A_174 : i32 to index
      %get3A_176 = arith.constant 16 : index
      %get3A_177 = tpu.vector_load %arg6[%get3A_175, %get3A_176] {strides = array<i32>} : memref<200x128xi32, #tpu.memory_space<vmem>>, vector<16xi32>,
      %gather3A_178 = tpu.vector_load_idx %arg5[%get3A_177] : memref<25600xf32, #tpu.memory_space<vmem>>[vector<16xi32>], vector<16xf32>,
      %add3A_179 = arith.addf %add3A_172, %gather3A_178 : vector<16xf32>
      %add3A_180 = arith.constant 4 : i32
      %add3A_181 = arith.addi %mul3A_119, %add3A_180 : i32
      %get3A_182 = arith.index_cast %add3A_181 : i32 to index
      %get3A_183 = arith.constant 16 : index
      %get3A_184 = tpu.vector_load %arg6[%get3A_182, %get3A_183] {strides = array<i32>} : memref<200x128xi32, #tpu.memory_space<vmem>>, vector<16xi32>,
      %gather3A_185 = tpu.vector_load_idx %arg5[%get3A_184] : memref<25600xf32, #tpu.memory_space<vmem>>[vector<16xi32>], vector<16xf32>,
      %add3A_186 = arith.addf %add3A_179, %gather3A_185 : vector<16xf32>
      %add3A_187 = arith.constant 16 : i32
      %add3A_188 = vector.broadcast %add3A_187 : i32 to vector<16xi32>
      %add3A_189 = arith.addi %iota3A, %add3A_188 : vector<16xi32>
      tpu.vector_store_idx %arg7[%add3A_121, %add3A_189], %add3A_186 : memref<40x128xf32, #tpu.memory_space<vmem>>[vector<16xi32>, vector<16xi32>], vector<16xf32>,
      %get3A_190 = arith.index_cast %mul3A_119 : i32 to index
      %get3A_191 = arith.constant 32 : index
      %get3A_192 = tpu.vector_load %arg6[%get3A_190, %get3A_191] {strides = array<i32>} : memref<200x128xi32, #tpu.memory_space<vmem>>, vector<16xi32>,
      %gather3A_193 = tpu.vector_load_idx %arg5[%get3A_192] : memref<25600xf32, #tpu.memory_space<vmem>>[vector<16xi32>], vector<16xf32>,
      %add3A_194 = arith.constant 1 : i32
      %add3A_195 = arith.addi %mul3A_119, %add3A_194 : i32
      %get3A_196 = arith.index_cast %add3A_195 : i32 to index
      %get3A_197 = arith.constant 32 : index
      %get3A_198 = tpu.vector_load %arg6[%get3A_196, %get3A_197] {strides = array<i32>} : memref<200x128xi32, #tpu.memory_space<vmem>>, vector<16xi32>,
      %gather3A_199 = tpu.vector_load_idx %arg5[%get3A_198] : memref<25600xf32, #tpu.memory_space<vmem>>[vector<16xi32>], vector<16xf32>,
      %add3A_200 = arith.addf %gather3A_193, %gather3A_199 : vector<16xf32>
      %add3A_201 = arith.constant 2 : i32
      %add3A_202 = arith.addi %mul3A_119, %add3A_201 : i32
      %get3A_203 = arith.index_cast %add3A_202 : i32 to index
      %get3A_204 = arith.constant 32 : index
      %get3A_205 = tpu.vector_load %arg6[%get3A_203, %get3A_204] {strides = array<i32>} : memref<200x128xi32, #tpu.memory_space<vmem>>, vector<16xi32>,
      %gather3A_206 = tpu.vector_load_idx %arg5[%get3A_205] : memref<25600xf32, #tpu.memory_space<vmem>>[vector<16xi32>], vector<16xf32>,
      %add3A_207 = arith.addf %add3A_200, %gather3A_206 : vector<16xf32>
      %add3A_208 = arith.constant 3 : i32
      %add3A_209 = arith.addi %mul3A_119, %add3A_208 : i32
      %get3A_210 = arith.index_cast %add3A_209 : i32 to index
      %get3A_211 = arith.constant 32 : index
      %get3A_212 = tpu.vector_load %arg6[%get3A_210, %get3A_211] {strides = array<i32>} : memref<200x128xi32, #tpu.memory_space<vmem>>, vector<16xi32>,
      %gather3A_213 = tpu.vector_load_idx %arg5[%get3A_212] : memref<25600xf32, #tpu.memory_space<vmem>>[vector<16xi32>], vector<16xf32>,
      %add3A_214 = arith.addf %add3A_207, %gather3A_213 : vector<16xf32>
      %add3A_215 = arith.constant 4 : i32
      %add3A_216 = arith.addi %mul3A_119, %add3A_215 : i32
      %get3A_217 = arith.index_cast %add3A_216 : i32 to index
      %get3A_218 = arith.constant 32 : index
      %get3A_219 = tpu.vector_load %arg6[%get3A_217, %get3A_218] {strides = array<i32>} : memref<200x128xi32, #tpu.memory_space<vmem>>, vector<16xi32>,
      %gather3A_220 = tpu.vector_load_idx %arg5[%get3A_219] : memref<25600xf32, #tpu.memory_space<vmem>>[vector<16xi32>], vector<16xf32>,
      %add3A_221 = arith.addf %add3A_214, %gather3A_220 : vector<16xf32>
      %add3A_222 = arith.constant 32 : i32
      %add3A_223 = vector.broadcast %add3A_222 : i32 to vector<16xi32>
      %add3A_224 = arith.addi %iota3A, %add3A_223 : vector<16xi32>
      tpu.vector_store_idx %arg7[%add3A_121, %add3A_224], %add3A_221 : memref<40x128xf32, #tpu.memory_space<vmem>>[vector<16xi32>, vector<16xi32>], vector<16xf32>,
      %get3A_225 = arith.index_cast %mul3A_119 : i32 to index
      %get3A_226 = arith.constant 48 : index
      %get3A_227 = tpu.vector_load %arg6[%get3A_225, %get3A_226] {strides = array<i32>} : memref<200x128xi32, #tpu.memory_space<vmem>>, vector<16xi32>,
      %gather3A_228 = tpu.vector_load_idx %arg5[%get3A_227] : memref<25600xf32, #tpu.memory_space<vmem>>[vector<16xi32>], vector<16xf32>,
      %add3A_229 = arith.constant 1 : i32
      %add3A_230 = arith.addi %mul3A_119, %add3A_229 : i32
      %get3A_231 = arith.index_cast %add3A_230 : i32 to index
      %get3A_232 = arith.constant 48 : index
      %get3A_233 = tpu.vector_load %arg6[%get3A_231, %get3A_232] {strides = array<i32>} : memref<200x128xi32, #tpu.memory_space<vmem>>, vector<16xi32>,
      %gather3A_234 = tpu.vector_load_idx %arg5[%get3A_233] : memref<25600xf32, #tpu.memory_space<vmem>>[vector<16xi32>], vector<16xf32>,
      %add3A_235 = arith.addf %gather3A_228, %gather3A_234 : vector<16xf32>
      %add3A_236 = arith.constant 2 : i32
      %add3A_237 = arith.addi %mul3A_119, %add3A_236 : i32
      %get3A_238 = arith.index_cast %add3A_237 : i32 to index
      %get3A_239 = arith.constant 48 : index
      %get3A_240 = tpu.vector_load %arg6[%get3A_238, %get3A_239] {strides = array<i32>} : memref<200x128xi32, #tpu.memory_space<vmem>>, vector<16xi32>,
      %gather3A_241 = tpu.vector_load_idx %arg5[%get3A_240] : memref<25600xf32, #tpu.memory_space<vmem>>[vector<16xi32>], vector<16xf32>,
      %add3A_242 = arith.addf %add3A_235, %gather3A_241 : vector<16xf32>
      %add3A_243 = arith.constant 3 : i32
      %add3A_244 = arith.addi %mul3A_119, %add3A_243 : i32
      %get3A_245 = arith.index_cast %add3A_244 : i32 to index
      %get3A_246 = arith.constant 48 : index
      %get3A_247 = tpu.vector_load %arg6[%get3A_245, %get3A_246] {strides = array<i32>} : memref<200x128xi32, #tpu.memory_space<vmem>>, vector<16xi32>,
      %gather3A_248 = tpu.vector_load_idx %arg5[%get3A_247] : memref<25600xf32, #tpu.memory_space<vmem>>[vector<16xi32>], vector<16xf32>,
      %add3A_249 = arith.addf %add3A_242, %gather3A_248 : vector<16xf32>
      %add3A_250 = arith.constant 4 : i32
      %add3A_251 = arith.addi %mul3A_119, %add3A_250 : i32
      %get3A_252 = arith.index_cast %add3A_251 : i32 to index
      %get3A_253 = arith.constant 48 : index
      %get3A_254 = tpu.vector_load %arg6[%get3A_252, %get3A_253] {strides = array<i32>} : memref<200x128xi32, #tpu.memory_space<vmem>>, vector<16xi32>,
      %gather3A_255 = tpu.vector_load_idx %arg5[%get3A_254] : memref<25600xf32, #tpu.memory_space<vmem>>[vector<16xi32>], vector<16xf32>,
      %add3A_256 = arith.addf %add3A_249, %gather3A_255 : vector<16xf32>
      %add3A_257 = arith.constant 48 : i32
      %add3A_258 = vector.broadcast %add3A_257 : i32 to vector<16xi32>
      %add3A_259 = arith.addi %iota3A, %add3A_258 : vector<16xi32>
      tpu.vector_store_idx %arg7[%add3A_121, %add3A_259], %add3A_256 : memref<40x128xf32, #tpu.memory_space<vmem>>[vector<16xi32>, vector<16xi32>], vector<16xf32>,
      %get3A_260 = arith.index_cast %mul3A_119 : i32 to index
      %get3A_261 = arith.constant 64 : index
      %get3A_262 = tpu.vector_load %arg6[%get3A_260, %get3A_261] {strides = array<i32>} : memref<200x128xi32, #tpu.memory_space<vmem>>, vector<16xi32>,
      %gather3A_263 = tpu.vector_load_idx %arg5[%get3A_262] : memref<25600xf32, #tpu.memory_space<vmem>>[vector<16xi32>], vector<16xf32>,
      %add3A_264 = arith.constant 1 : i32
      %add3A_265 = arith.addi %mul3A_119, %add3A_264 : i32
      %get3A_266 = arith.index_cast %add3A_265 : i32 to index
      %get3A_267 = arith.constant 64 : index
      %get3A_268 = tpu.vector_load %arg6[%get3A_266, %get3A_267] {strides = array<i32>} : memref<200x128xi32, #tpu.memory_space<vmem>>, vector<16xi32>,
      %gather3A_269 = tpu.vector_load_idx %arg5[%get3A_268] : memref<25600xf32, #tpu.memory_space<vmem>>[vector<16xi32>], vector<16xf32>,
      %add3A_270 = arith.addf %gather3A_263, %gather3A_269 : vector<16xf32>
      %add3A_271 = arith.constant 2 : i32
      %add3A_272 = arith.addi %mul3A_119, %add3A_271 : i32
      %get3A_273 = arith.index_cast %add3A_272 : i32 to index
      %get3A_274 = arith.constant 64 : index
      %get3A_275 = tpu.vector_load %arg6[%get3A_273, %get3A_274] {strides = array<i32>} : memref<200x128xi32, #tpu.memory_space<vmem>>, vector<16xi32>,
      %gather3A_276 = tpu.vector_load_idx %arg5[%get3A_275] : memref<25600xf32, #tpu.memory_space<vmem>>[vector<16xi32>], vector<16xf32>,
      %add3A_277 = arith.addf %add3A_270, %gather3A_276 : vector<16xf32>
      %add3A_278 = arith.constant 3 : i32
      %add3A_279 = arith.addi %mul3A_119, %add3A_278 : i32
      %get3A_280 = arith.index_cast %add3A_279 : i32 to index
      %get3A_281 = arith.constant 64 : index
      %get3A_282 = tpu.vector_load %arg6[%get3A_280, %get3A_281] {strides = array<i32>} : memref<200x128xi32, #tpu.memory_space<vmem>>, vector<16xi32>,
      %gather3A_283 = tpu.vector_load_idx %arg5[%get3A_282] : memref<25600xf32, #tpu.memory_space<vmem>>[vector<16xi32>], vector<16xf32>,
      %add3A_284 = arith.addf %add3A_277, %gather3A_283 : vector<16xf32>
      %add3A_285 = arith.constant 4 : i32
      %add3A_286 = arith.addi %mul3A_119, %add3A_285 : i32
      %get3A_287 = arith.index_cast %add3A_286 : i32 to index
      %get3A_288 = arith.constant 64 : index
      %get3A_289 = tpu.vector_load %arg6[%get3A_287, %get3A_288] {strides = array<i32>} : memref<200x128xi32, #tpu.memory_space<vmem>>, vector<16xi32>,
      %gather3A_290 = tpu.vector_load_idx %arg5[%get3A_289] : memref<25600xf32, #tpu.memory_space<vmem>>[vector<16xi32>], vector<16xf32>,
      %add3A_291 = arith.addf %add3A_284, %gather3A_290 : vector<16xf32>
      %add3A_292 = arith.constant 64 : i32
      %add3A_293 = vector.broadcast %add3A_292 : i32 to vector<16xi32>
      %add3A_294 = arith.addi %iota3A, %add3A_293 : vector<16xi32>
      tpu.vector_store_idx %arg7[%add3A_121, %add3A_294], %add3A_291 : memref<40x128xf32, #tpu.memory_space<vmem>>[vector<16xi32>, vector<16xi32>], vector<16xf32>,
      %get3A_295 = arith.index_cast %mul3A_119 : i32 to index
      %get3A_296 = arith.constant 80 : index
      %get3A_297 = tpu.vector_load %arg6[%get3A_295, %get3A_296] {strides = array<i32>} : memref<200x128xi32, #tpu.memory_space<vmem>>, vector<16xi32>,
      %gather3A_298 = tpu.vector_load_idx %arg5[%get3A_297] : memref<25600xf32, #tpu.memory_space<vmem>>[vector<16xi32>], vector<16xf32>,
      %add3A_299 = arith.constant 1 : i32
      %add3A_300 = arith.addi %mul3A_119, %add3A_299 : i32
      %get3A_301 = arith.index_cast %add3A_300 : i32 to index
      %get3A_302 = arith.constant 80 : index
      %get3A_303 = tpu.vector_load %arg6[%get3A_301, %get3A_302] {strides = array<i32>} : memref<200x128xi32, #tpu.memory_space<vmem>>, vector<16xi32>,
      %gather3A_304 = tpu.vector_load_idx %arg5[%get3A_303] : memref<25600xf32, #tpu.memory_space<vmem>>[vector<16xi32>], vector<16xf32>,
      %add3A_305 = arith.addf %gather3A_298, %gather3A_304 : vector<16xf32>
      %add3A_306 = arith.constant 2 : i32
      %add3A_307 = arith.addi %mul3A_119, %add3A_306 : i32
      %get3A_308 = arith.index_cast %add3A_307 : i32 to index
      %get3A_309 = arith.constant 80 : index
      %get3A_310 = tpu.vector_load %arg6[%get3A_308, %get3A_309] {strides = array<i32>} : memref<200x128xi32, #tpu.memory_space<vmem>>, vector<16xi32>,
      %gather3A_311 = tpu.vector_load_idx %arg5[%get3A_310] : memref<25600xf32, #tpu.memory_space<vmem>>[vector<16xi32>], vector<16xf32>,
      %add3A_312 = arith.addf %add3A_305, %gather3A_311 : vector<16xf32>
      %add3A_313 = arith.constant 3 : i32
      %add3A_314 = arith.addi %mul3A_119, %add3A_313 : i32
      %get3A_315 = arith.index_cast %add3A_314 : i32 to index
      %get3A_316 = arith.constant 80 : index
      %get3A_317 = tpu.vector_load %arg6[%get3A_315, %get3A_316] {strides = array<i32>} : memref<200x128xi32, #tpu.memory_space<vmem>>, vector<16xi32>,
      %gather3A_318 = tpu.vector_load_idx %arg5[%get3A_317] : memref<25600xf32, #tpu.memory_space<vmem>>[vector<16xi32>], vector<16xf32>,
      %add3A_319 = arith.addf %add3A_312, %gather3A_318 : vector<16xf32>
      %add3A_320 = arith.constant 4 : i32
      %add3A_321 = arith.addi %mul3A_119, %add3A_320 : i32
      %get3A_322 = arith.index_cast %add3A_321 : i32 to index
      %get3A_323 = arith.constant 80 : index
      %get3A_324 = tpu.vector_load %arg6[%get3A_322, %get3A_323] {strides = array<i32>} : memref<200x128xi32, #tpu.memory_space<vmem>>, vector<16xi32>,
      %gather3A_325 = tpu.vector_load_idx %arg5[%get3A_324] : memref<25600xf32, #tpu.memory_space<vmem>>[vector<16xi32>], vector<16xf32>,
      %add3A_326 = arith.addf %add3A_319, %gather3A_325 : vector<16xf32>
      %add3A_327 = arith.constant 80 : i32
      %add3A_328 = vector.broadcast %add3A_327 : i32 to vector<16xi32>
      %add3A_329 = arith.addi %iota3A, %add3A_328 : vector<16xi32>
      tpu.vector_store_idx %arg7[%add3A_121, %add3A_329], %add3A_326 : memref<40x128xf32, #tpu.memory_space<vmem>>[vector<16xi32>, vector<16xi32>], vector<16xf32>,
      %get3A_330 = arith.index_cast %mul3A_119 : i32 to index
      %get3A_331 = arith.constant 96 : index
      %get3A_332 = tpu.vector_load %arg6[%get3A_330, %get3A_331] {strides = array<i32>} : memref<200x128xi32, #tpu.memory_space<vmem>>, vector<16xi32>,
      %gather3A_333 = tpu.vector_load_idx %arg5[%get3A_332] : memref<25600xf32, #tpu.memory_space<vmem>>[vector<16xi32>], vector<16xf32>,
      %add3A_334 = arith.constant 1 : i32
      %add3A_335 = arith.addi %mul3A_119, %add3A_334 : i32
      %get3A_336 = arith.index_cast %add3A_335 : i32 to index
      %get3A_337 = arith.constant 96 : index
      %get3A_338 = tpu.vector_load %arg6[%get3A_336, %get3A_337] {strides = array<i32>} : memref<200x128xi32, #tpu.memory_space<vmem>>, vector<16xi32>,
      %gather3A_339 = tpu.vector_load_idx %arg5[%get3A_338] : memref<25600xf32, #tpu.memory_space<vmem>>[vector<16xi32>], vector<16xf32>,
      %add3A_340 = arith.addf %gather3A_333, %gather3A_339 : vector<16xf32>
      %add3A_341 = arith.constant 2 : i32
      %add3A_342 = arith.addi %mul3A_119, %add3A_341 : i32
      %get3A_343 = arith.index_cast %add3A_342 : i32 to index
      %get3A_344 = arith.constant 96 : index
      %get3A_345 = tpu.vector_load %arg6[%get3A_343, %get3A_344] {strides = array<i32>} : memref<200x128xi32, #tpu.memory_space<vmem>>, vector<16xi32>,
      %gather3A_346 = tpu.vector_load_idx %arg5[%get3A_345] : memref<25600xf32, #tpu.memory_space<vmem>>[vector<16xi32>], vector<16xf32>,
      %add3A_347 = arith.addf %add3A_340, %gather3A_346 : vector<16xf32>
      %add3A_348 = arith.constant 3 : i32
      %add3A_349 = arith.addi %mul3A_119, %add3A_348 : i32
      %get3A_350 = arith.index_cast %add3A_349 : i32 to index
      %get3A_351 = arith.constant 96 : index
      %get3A_352 = tpu.vector_load %arg6[%get3A_350, %get3A_351] {strides = array<i32>} : memref<200x128xi32, #tpu.memory_space<vmem>>, vector<16xi32>,
      %gather3A_353 = tpu.vector_load_idx %arg5[%get3A_352] : memref<25600xf32, #tpu.memory_space<vmem>>[vector<16xi32>], vector<16xf32>,
      %add3A_354 = arith.addf %add3A_347, %gather3A_353 : vector<16xf32>
      %add3A_355 = arith.constant 4 : i32
      %add3A_356 = arith.addi %mul3A_119, %add3A_355 : i32
      %get3A_357 = arith.index_cast %add3A_356 : i32 to index
      %get3A_358 = arith.constant 96 : index
      %get3A_359 = tpu.vector_load %arg6[%get3A_357, %get3A_358] {strides = array<i32>} : memref<200x128xi32, #tpu.memory_space<vmem>>, vector<16xi32>,
      %gather3A_360 = tpu.vector_load_idx %arg5[%get3A_359] : memref<25600xf32, #tpu.memory_space<vmem>>[vector<16xi32>], vector<16xf32>,
      %add3A_361 = arith.addf %add3A_354, %gather3A_360 : vector<16xf32>
      %add3A_362 = arith.constant 96 : i32
      %add3A_363 = vector.broadcast %add3A_362 : i32 to vector<16xi32>
      %add3A_364 = arith.addi %iota3A, %add3A_363 : vector<16xi32>
      tpu.vector_store_idx %arg7[%add3A_121, %add3A_364], %add3A_361 : memref<40x128xf32, #tpu.memory_space<vmem>>[vector<16xi32>, vector<16xi32>], vector<16xf32>,
      %get3A_365 = arith.index_cast %mul3A_119 : i32 to index
      %get3A_366 = arith.constant 112 : index
      %get3A_367 = tpu.vector_load %arg6[%get3A_365, %get3A_366] {strides = array<i32>} : memref<200x128xi32, #tpu.memory_space<vmem>>, vector<16xi32>,
      %gather3A_368 = tpu.vector_load_idx %arg5[%get3A_367] : memref<25600xf32, #tpu.memory_space<vmem>>[vector<16xi32>], vector<16xf32>,
      %add3A_369 = arith.constant 1 : i32
      %add3A_370 = arith.addi %mul3A_119, %add3A_369 : i32
      %get3A_371 = arith.index_cast %add3A_370 : i32 to index
      %get3A_372 = arith.constant 112 : index
      %get3A_373 = tpu.vector_load %arg6[%get3A_371, %get3A_372] {strides = array<i32>} : memref<200x128xi32, #tpu.memory_space<vmem>>, vector<16xi32>,
      %gather3A_374 = tpu.vector_load_idx %arg5[%get3A_373] : memref<25600xf32, #tpu.memory_space<vmem>>[vector<16xi32>], vector<16xf32>,
      %add3A_375 = arith.addf %gather3A_368, %gather3A_374 : vector<16xf32>
      %add3A_376 = arith.constant 2 : i32
      %add3A_377 = arith.addi %mul3A_119, %add3A_376 : i32
      %get3A_378 = arith.index_cast %add3A_377 : i32 to index
      %get3A_379 = arith.constant 112 : index
      %get3A_380 = tpu.vector_load %arg6[%get3A_378, %get3A_379] {strides = array<i32>} : memref<200x128xi32, #tpu.memory_space<vmem>>, vector<16xi32>,
      %gather3A_381 = tpu.vector_load_idx %arg5[%get3A_380] : memref<25600xf32, #tpu.memory_space<vmem>>[vector<16xi32>], vector<16xf32>,
      %add3A_382 = arith.addf %add3A_375, %gather3A_381 : vector<16xf32>
      %add3A_383 = arith.constant 3 : i32
      %add3A_384 = arith.addi %mul3A_119, %add3A_383 : i32
      %get3A_385 = arith.index_cast %add3A_384 : i32 to index
      %get3A_386 = arith.constant 112 : index
      %get3A_387 = tpu.vector_load %arg6[%get3A_385, %get3A_386] {strides = array<i32>} : memref<200x128xi32, #tpu.memory_space<vmem>>, vector<16xi32>,
      %gather3A_388 = tpu.vector_load_idx %arg5[%get3A_387] : memref<25600xf32, #tpu.memory_space<vmem>>[vector<16xi32>], vector<16xf32>,
      %add3A_389 = arith.addf %add3A_382, %gather3A_388 : vector<16xf32>
      %add3A_390 = arith.constant 4 : i32
      %add3A_391 = arith.addi %mul3A_119, %add3A_390 : i32
      %get3A_392 = arith.index_cast %add3A_391 : i32 to index
      %get3A_393 = arith.constant 112 : index
      %get3A_394 = tpu.vector_load %arg6[%get3A_392, %get3A_393] {strides = array<i32>} : memref<200x128xi32, #tpu.memory_space<vmem>>, vector<16xi32>,
      %gather3A_395 = tpu.vector_load_idx %arg5[%get3A_394] : memref<25600xf32, #tpu.memory_space<vmem>>[vector<16xi32>], vector<16xf32>,
      %add3A_396 = arith.addf %add3A_389, %gather3A_395 : vector<16xf32>
      %add3A_397 = arith.constant 112 : i32
      %add3A_398 = vector.broadcast %add3A_397 : i32 to vector<16xi32>
      %add3A_399 = arith.addi %iota3A, %add3A_398 : vector<16xi32>
      tpu.vector_store_idx %arg7[%add3A_121, %add3A_399], %add3A_396 : memref<40x128xf32, #tpu.memory_space<vmem>>[vector<16xi32>, vector<16xi32>], vector<16xf32>,
    }
    %scan3A_116 = arith.constant 16 : i32
    "tpu.region"() ({
      %run_scoped3A = tpu.sem_alloc : memref<!tpu.dma_semaphore, #tpu.memory_space<semaphore_mem>>
      %dma_start3A_117 = arith.constant 0 : i32
      %dma_start3A_118 = arith.constant 0 : i32
      %dma_start3A_119 = tpu.memref_slice %arg4[%dma_start3A_117, %add3A, %dma_start3A_118] : memref<40x32x128xf32, #tpu.memory_space<hbm>> -> memref<40x1x128xf32, #tpu.memory_space<hbm>>
      %dma_start3A_120 = tpu.memref_squeeze %dma_start3A_119 : memref<40x1x128xf32, #tpu.memory_space<hbm>> -> memref<40x128xf32, #tpu.memory_space<hbm>>
      %dma_start3A_121 = arith.constant 0 : i32
      %dma_start3A_122 = arith.constant 0 : i32
      %dma_start3A_123 = tpu.memref_slice %arg4[%dma_start3A_121, %add3A, %dma_start3A_122] : memref<40x32x128xf32, #tpu.memory_space<hbm>> -> memref<40x1x128xf32, #tpu.memory_space<hbm>>
      %dma_start3A_124 = tpu.memref_squeeze %dma_start3A_123 : memref<40x1x128xf32, #tpu.memory_space<hbm>> -> memref<40x128xf32, #tpu.memory_space<hbm>>
      tpu.enqueue_dma source(%arg7 : memref<40x128xf32, #tpu.memory_space<vmem>>) target(%dma_start3A_124 : memref<40x128xf32, #tpu.memory_space<hbm>>) target_semaphore(%run_scoped3A : memref<!tpu.dma_semaphore, #tpu.memory_space<semaphore_mem>>)
      %dma_wait3A_125 = arith.constant 0 : i32
      %dma_wait3A_126 = arith.constant 0 : i32
      %dma_wait3A_127 = tpu.memref_slice %arg4[%dma_wait3A_125, %add3A, %dma_wait3A_126] : memref<40x32x128xf32, #tpu.memory_space<hbm>> -> memref<40x1x128xf32, #tpu.memory_space<hbm>>
      %dma_wait3A_128 = tpu.memref_squeeze %dma_wait3A_127 : memref<40x1x128xf32, #tpu.memory_space<hbm>> -> memref<40x128xf32, #tpu.memory_space<hbm>>
      %dma_wait3A_129 = arith.constant 0 : i32
      %dma_wait3A_130 = arith.constant 0 : i32
      %dma_wait3A_131 = tpu.memref_slice %arg4[%dma_wait3A_129, %add3A, %dma_wait3A_130] : memref<40x32x128xf32, #tpu.memory_space<hbm>> -> memref<40x1x128xf32, #tpu.memory_space<hbm>>
      %dma_wait3A_132 = tpu.memref_squeeze %dma_wait3A_131 : memref<40x1x128xf32, #tpu.memory_space<hbm>> -> memref<40x128xf32, #tpu.memory_space<hbm>>
      tpu.wait_dma2 semaphore(%run_scoped3A : memref<!tpu.dma_semaphore, #tpu.memory_space<semaphore_mem>>) src(%arg7 : memref<40x128xf32, #tpu.memory_space<vmem>>) dst(%dma_wait3A_132 : memref<40x128xf32, #tpu.memory_space<hbm>>)
      tpu.yield
    }) : () -> ()
    return
  }
}

module attributes {stable_mosaic.version = 14 : i64} {
  func.func @_scores_body(%arg0: i32, %arg1: memref<100x12800xf32, #tpu.memory_space<vmem>>, %arg2: memref<1x100xf32, #tpu.memory_space<vmem>>, %arg3: memref<1x1xf32, #tpu.memory_space<vmem>>, %arg4: memref<1x1x12800xf32, #tpu.memory_space<vmem>>) attributes {dimension_semantics = [#tpu.dimension_semantics<arbitrary>], iteration_bounds = array<i64: 2>, scalar_prefetch = 0 : i64, scratch_operands = 0 : i64, tpu.core_type = #tpu.core_type<tc>, window_params = [{transform_indices = @transform_0, window_bounds = array<i64: 100, 12800>}, {pipeline_mode = #tpu.pipeline_mode<synchronous>, transform_indices = @transform_1, window_bounds = array<i64: 1, 100>}, {pipeline_mode = #tpu.pipeline_mode<synchronous>, transform_indices = @transform_2, window_bounds = array<i64: 1, 1>}, {transform_indices = @transform_3, window_bounds = array<i64: 1, 1, 12800>}]} {
    %get3A = arith.constant 0 : index
    %get3A_0 = arith.constant 0 : index
    %get3A_1 = vector.load %arg2[%get3A, %get3A_0] : memref<1x100xf32, #tpu.memory_space<vmem>>, vector<1x100xf32>
    %get3A_2 = arith.constant 0 : index
    %get3A_3 = arith.constant 0 : index
    %get3A_4 = vector.load %arg1[%get3A_2, %get3A_3] : memref<100x12800xf32, #tpu.memory_space<vmem>>, vector<100x12800xf32>
    %dot_general3A = arith.constant dense<0.000000e+00> : vector<1x12800xf32>
    %dot_general3A_5 = tpu.matmul %get3A_1, %get3A_4, %dot_general3A {dimension_numbers = #tpu.dot_dimension_numbers<[1], [0], [0], [1], [0, 0, 1, 1], [], []>, transpose_lhs_hint = false} : vector<1x100xf32>, vector<100x12800xf32>, vector<1x12800xf32> -> vector<1x12800xf32>
    %mul3A = arith.constant 2.000000e-01 : f32
    %mul3A_6 = vector.broadcast %mul3A : f32 to vector<1x12800xf32>
    %mul3A_7 = arith.mulf %dot_general3A_5, %mul3A_6 : vector<1x12800xf32>
    %get3A_8 = arith.constant 0 : index
    %get3A_9 = arith.constant 0 : index
    %get3A_10 = vector.load %arg3[%get3A_8, %get3A_9] : memref<1x1xf32, #tpu.memory_space<vmem>>, vector<1x1xf32>
    %get3A_11 = vector.extract %get3A_10[0, 0] : f32 from vector<1x1xf32>
    %mul3A_12 = arith.constant 2.000000e-01 : f32
    %mul3A_13 = arith.mulf %get3A_11, %mul3A_12 : f32
    %add3A = vector.broadcast %mul3A_13 : f32 to vector<1x12800xf32>
    %add3A_14 = arith.addf %mul3A_7, %add3A : vector<1x12800xf32>
    %swap3A = arith.constant 0 : index
    %swap3A_15 = arith.constant 0 : index
    %swap3A_16 = arith.constant 0 : index
    %swap3A_17 = vector.load %arg4[%swap3A, %swap3A_15, %swap3A_16] : memref<1x1x12800xf32, #tpu.memory_space<vmem>>, vector<1x1x12800xf32>
    %swap3A_18 = vector.shape_cast %swap3A_17 : vector<1x1x12800xf32> to vector<1x12800xf32>
    %swap3A_19 = vector.shape_cast %add3A_14 : vector<1x12800xf32> to vector<1x1x12800xf32>
    tpu.vector_store %arg4[%swap3A, %swap3A_15, %swap3A_16], %swap3A_19 {strides = array<i32>} : memref<1x1x12800xf32, #tpu.memory_space<vmem>>, vector<1x1x12800xf32>,
    return
  }
  func.func @transform_0(%arg0: i32) -> (i32, i32) {
    %c0_i32 = arith.constant 0 : i32
    %c0_i32_0 = arith.constant 0 : i32
    return %c0_i32, %arg0 : i32, i32
  }
  func.func @transform_1(%arg0: i32) -> (i32, i32) {
    %c0_i32 = arith.constant 0 : i32
    %c0_i32_0 = arith.constant 0 : i32
    %c0_i32_1 = arith.constant 0 : i32
    return %c0_i32, %c0_i32_0 : i32, i32
  }
  func.func @transform_2(%arg0: i32) -> (i32, i32) {
    %c0_i32 = arith.constant 0 : i32
    %c0_i32_0 = arith.constant 0 : i32
    %c0_i32_1 = arith.constant 0 : i32
    return %c0_i32, %c0_i32_0 : i32, i32
  }
  func.func @transform_3(%arg0: i32) -> (i32, i32, i32) {
    %c0_i32 = arith.constant 0 : i32
    %c0_i32_0 = arith.constant 0 : i32
    %c0_i32_1 = arith.constant 0 : i32
    return %arg0, %c0_i32, %c0_i32_0 : i32, i32, i32
  }
}

</mosaic_0001>

<sc_bundles>
// kernel: kernel.4.cloned.1.call-start
scs
__scs_entry_jumppad:
0x0: {  	(pc) =	sbr.rel $0x88, $3  }
0x1: {  	(tag) =	ssettag $0x0;
	lr =	simm.s32 $0x1  }
0x2: {  	[smem:$0x3F9D] =	sst lr;
	_ =	strace $0xD0000000  }
0x3: {  	_ = 	snop  }
0x4: {  	_ = 	snop  }
0x5: {  	_ = 	snop  }
0x6: {  	_ = 	snop  }
0x7: {  	_ = 	snop  }
__scs_overlays_trampoline_lowered:
0x8: {  	[smem:$0x3FAC] =	sst s0  }
0x9: {  	[smem:$0x3FAD] =	sst s1  }
0xa: {  	[smem:$0x3FAE] =	sst s2  }
0xb: {  	[smem:$0x3FAF] =	sst s3  }
0xc: {  	[smem:$0x3FB0] =	sst s4  }
0xd: {  	[smem:$0x3FB1] =	sst s5  }
0xe: {  	[smem:$0x3FB2] =	sst s6  }
0xf: {  	[smem:$0x3FB3] =	sst s7  }
0x10: {  	[smem:$0x3FB4] =	sst s8  }
0x11: {  	[smem:$0x3FB5] =	sst s9;
	s0 =	simm.s32 @!p0 $0x0  }
0x12: {  	s1 =	sld [smem:$0x3F9B];
	s0 =	simm.s32 @p0 $0x1  }
0x13: {  	[smem:$0x3FB6] =	sst s0;
	s0 =	simm.s32 @!p1 $0x0  }
0x14: {  	s2 =	sld [smem:$0x3F9A];
	s0 =	simm.s32 @p1 $0x1  }
0x15: {  	[smem:$0x3FB7] =	sst s0;
	s0 =	simm.s32 @!p2 $0x0  }
0x16: {  	s3 =	sld [smem:$0x3FDB];
	s0 =	simm.s32 @p2 $0x1  }
0x17: {  	s4 =	simm.s32 $0x1BF5;
	[smem:$0x3FB9] =	sst s0  }
0x18: {  	s0 =	sld [smem:$0x3F9C];
	_ =	swait.ge [sflag:s4], $0x0  }
0x19: {  	s7 =	sld [smem:$0x3F9D]  }
0x1a: {  	s8 =	sadd.s32 $0xFFFFE003, lr  }
0x1b: {  	s9 =	sadd.s32 $0xFFFFFEF7, lr;
	s5 =	simm.s32 $0xFFFFFFFF;
	p2 =	slt.u32 s8, $0xFFFFF086  }
0x1c: {  	p1 =	slt.u32 s9, $0xF7A;
	s5 =	simm.s32 @!p2 $0x0  }
0x1d: {  	s5 =	simm.s32 @p1 $0x1;
	p0 =	seq.s32 s7, s2  }
0x1e: {  	s7 =	smul.u32 @!p0 $0xF7A, s2;
	p2 =	seq.s32 @!p0 s5, $0x0  }
0x1f: {  	s9 =	smul.u32 $0xF7A, s1;
	s8 =	simm.s32 @!p0 $0x1BF5;
	p2 =	por !p2, p0  }
0x20: {  	[sflag:s8] =	ssyncset.s32 @!p0 $0xFFFFF086;
	s6 =	sadd.s32 @!p0 s3, s7;
	s7 =	simm.s32 @!p0 $0x108  }
0x21: {  	s3 =	sadd.s32 s3, s9;
	s6 =	sadd.s32 @!p0 $0x88, s6;
	s7 =	simm.s32 @p2 $0x1082  }
0x22: {  	[simem:s7], [sflag:s8] =	dma.local @!p0 [hbm:s6], $0xF7A  }
0x23: {  	s9 =	sor.u32 $0xD0000000, s2;
	s6 =	simm.s32 $0x108;
	_ =	swait.ge @!p0 [sflag:s8], $0x0  }
0x24: {  	s3 =	sadd.s32 $0x88, s3;
	s6 =	simm.s32 @!p1 $0x1082;
	[sflag:s4] =	ssyncset.s32 $0xFFFFF086  }
0x25: {  	[simem:s6], [sflag:s4] =	dma.local [hbm:s3], $0xF7A  }
0x26: {  	[smem:$0x3F9D] =	sst s1;
	(tag) =	ssettag s2;
	_ =	strace s9  }
0x27: {  	s1 =	sld [smem:$0x3FAD]  }
0x28: {  	s2 =	sld [smem:$0x3FAE]  }
0x29: {  	s4 =	sld [smem:$0x3FB0]  }
0x2a: {  	p0 =	seq.s32 s5, $0x0;
	s5 =	sld [smem:$0x3FB1]  }
0x2b: {  	s6 =	sld [smem:$0x3FB2]  }
0x2c: {  	s7 =	sld [smem:$0x3FB3]  }
0x2d: {  	s3 =	simm.s32 $0x108;
	s8 =	sld [smem:$0x3FB4]  }
0x2e: {  	s3 =	simm.s32 @!p0 $0x1082;
	s9 =	sld [smem:$0x3FB5]  }
0x2f: {  	lr =	sadd.s32 s0, s3;
	s0 =	sld [smem:$0x3FAC]  }
0x30: {  	s3 =	sld [smem:$0x3FAF]  }
0x31: {  	[smem:$0x3FB8] =	sst s10  }
0x32: {  	s10 =	sld [smem:$0x3FB6];
	_ =	sdelay $0x3  }
0x33: {  	p0 =	seq.s32 s10, $0x1;
	s10 =	sld [smem:$0x3FB8];
	_ =	sdelay $0x3  }
0x34: {  	[smem:$0x3FB8] =	sst s10  }
0x35: {  	s10 =	sld [smem:$0x3FB7];
	_ =	sdelay $0x3  }
0x36: {  	p1 =	seq.s32 s10, $0x1;
	s10 =	sld [smem:$0x3FB8];
	_ =	sdelay $0x3  }
0x37: {  	[smem:$0x3FB8] =	sst s10  }
0x38: {  	s10 =	sld [smem:$0x3FB9]  }
0x39: {  	_ = 	snop;
	(pc) =	sbr.ind lr, $3  }
0x3a: {  	_ = 	snop  }
0x3b: {  	_ = 	snop  }
0x3c: {  	p2 =	seq.s32 s10, $0x1;
	s10 =	sld [smem:$0x3FB8]  }
0x3d: {  	_ =	shalt  }
0x3e: {  	_ =	shalt  }
0x3f: {  	_ =	shalt  }
0x40: {  	_ =	shalt  }
0x41: {  	_ =	shalt  }
0x42: {  	_ =	shalt  }
0x43: {  	_ =	shalt  }
0x44: {  	_ =	shalt  }
0x45: {  	_ =	shalt  }
0x46: {  	_ =	shalt  }
0x47: {  	_ =	shalt  }
0x48: {  	_ =	shalt  }
0x49: {  	_ =	shalt  }
0x4a: {  	_ =	shalt  }
0x4b: {  	_ =	shalt  }
0x4c: {  	_ =	shalt  }
0x4d: {  	_ =	shalt  }
0x4e: {  	_ =	shalt  }
0x4f: {  	_ =	shalt  }
0x50: {  	_ =	shalt  }
0x51: {  	_ =	shalt  }
0x52: {  	_ =	shalt  }
0x53: {  	_ =	shalt  }
0x54: {  	_ =	shalt  }
0x55: {  	_ =	shalt  }
0x56: {  	_ =	shalt  }
0x57: {  	_ =	shalt  }
0x58: {  	_ =	shalt  }
0x59: {  	_ =	shalt  }
0x5a: {  	_ =	shalt  }
0x5b: {  	_ =	shalt  }
0x5c: {  	_ =	shalt  }
0x5d: {  	_ =	shalt  }
0x5e: {  	_ =	shalt  }
0x5f: {  	_ =	shalt  }
0x60: {  	_ =	shalt  }
0x61: {  	_ =	shalt  }
0x62: {  	_ =	shalt  }
0x63: {  	_ =	shalt  }
0x64: {  	_ =	shalt  }
0x65: {  	_ =	shalt  }
0x66: {  	_ =	shalt  }
0x67: {  	_ =	shalt  }
0x68: {  	_ =	shalt  }
0x69: {  	_ =	shalt  }
0x6a: {  	_ =	shalt  }
0x6b: {  	_ =	shalt  }
0x6c: {  	_ =	shalt  }
0x6d: {  	_ =	shalt  }
0x6e: {  	_ =	shalt  }
0x6f: {  	_ =	shalt  }
0x70: {  	_ =	shalt  }
0x71: {  	_ =	shalt  }
0x72: {  	_ =	shalt  }
0x73: {  	_ =	shalt  }
0x74: {  	_ =	shalt  }
0x75: {  	_ =	shalt  }
0x76: {  	_ =	shalt  }
0x77: {  	_ =	shalt  }
0x78: {  	_ =	shalt  }
0x79: {  	_ =	shalt  }
0x7a: {  	_ =	shalt  }
0x7b: {  	_ =	shalt  }
0x7c: {  	_ =	shalt  }
0x7d: {  	_ =	shalt  }
0x7e: {  	_ =	shalt  }
0x7f: {  	_ =	shalt  }
0x80: {  	_ =	shalt  }
0x81: {  	_ =	shalt  }
0x82: {  	_ =	shalt  }
0x83: {  	_ =	shalt  }
0x84: {  	_ =	shalt  }
0x85: {  	_ =	shalt  }
0x86: {  	_ =	shalt  }
0x87: {  	_ =	shalt  }
.Lfunc_end0:
.L_simem_size_0:
called_computation_lowered:
.L_overlay_start_0:
0x88: {  	s2 =	sld [smem:$0x3FD9]  }
0x89: {  	s3 =	sld [smem:$0x3FFE];
	_ =	sdelay $0x1  }
0x8a: {  	s1 =	srdreg.scid  }
0x8b: {  	s0 =	sand.u32 $0x1, s1  }
0x8c: {  	s17 =	sshll.u32 s0, $0xA;
	s2 =	sadd.s32 s3, s2  }
0x8d: {  	s2 =	sadd.s32 s2, s17  }
0x8e: {  	[smem:$0x3FC4] =	sst s2  }
0x8f: {  	_ = 	snop  }
0x90: {  	s2 =	sld [smem:$0x3FC9]  }
0x91: {  	s18 =	sld [smem:$0x3FD0];
	(tm) =	ssettm $0x1  }
0x92: {  	s4 =	sld [smem:$0x3FFB];
	_ =	sdelay $0x3  }
0x93: {  	_ =	strace s4  }
0x94: {  	s4 =	sld [smem:$0x3FFC];
	_ =	sdelay $0x3  }
0x95: {  	_ =	strace s4  }
0x96: {  	s4 =	sld [smem:$0x3FFD];
	_ =	sdelay $0x3  }
0x97: {  	_ =	strace s4  }
0x98: {  	_ =	strace $0x8FFFFFFF  }
0x99: {  	s19 =	sld [smem:$0x3FDB];
	_ =	sdelay $0x1  }
0x9a: {  	s5 =	simm.s32 $_scs_section_size  }
0x9b: {  	s6 =	simm.s32 $_size__tile_overlayer_lowered;
	s7 =	simm.s32 $_tile_overlayer_lowered  }
0x9c: {  	s22 =	simm.s32 $0x1BFF;
	s21 =	sshll.u32 s7, $0x1;
	s4 =	sadd.s32 s5, s19  }
0x9d: {  	s8 =	simm.s32 $0x0;
	s20 =	sshll.u32 s6, $0x1;
	s6 =	sadd.s32 s21, s4  }
0x9e: {  	[timem:s8], [sflag:s22] =	dma.local [hbm:s6], s20  }
0x9f: {  	_ =	swait.ge [sflag:s22], s20  }
0xa0: {  	s5 =	ssub.s32 $0x0, s20;
	[sflag:s22] =	ssyncset.done $0x0  }
0xa1: {  	[sflag:s22] =	ssyncadd.s32 s5;
	_ =	sdelay $0x1  }
0xa2: {  	s23 =	simm.s32 $0x1B8B  }
0xa3: {  	_ =	swait.ge [sflag:s23], $0x1  }
0xa4: {  	[sflag:s23] =	ssyncset.done $0x0  }
0xa5: {  	s25 =	simm.s32 $0x1B8E;
	s24 =	sld [smem:$0x3FFE];
	[sflag:s23] =	ssyncadd.s32 $0xFFFFFFFF  }
0xa6: {  	s26 =	simm.s32 $execute0_lowered;
	[smem:$0x3FD2] =	sst s25  }
0xa7: {  	s6 =	sshll.u32 s26, $0x1;
	_ =	strace $0x80000046;
	[dreg:$0x1] =	wrdreg $0xFFFFFFFF  }
0xa8: {  	s28 =	simm.s32 $_size_execute0_lowered;
	s4 =	sadd.s32 s4, s6;
	[dreg:$0x0] =	wrdreg $0x0  }
0xa9: {  	s6 =	sshll.u32 s28, $0x1;
	[dreg:$0x2] =	wrdreg s4  }
0xaa: {  	[dreg:$0x3] =	wrdreg s6  }
0xab: {  	[dreg:$0x4] =	wrdreg $0xC0  }
0xac: {  	_ =	task [dreg:s8], $0x5FFFF  }
0xad: {  	[dreg:$0x1] =	wrdreg $0xFFFFFFFF  }
0xae: {  	[dreg:$0x0] =	wrdreg $0x60  }
0xaf: {  	[dreg:$0x2] =	wrdreg s24  }
0xb0: {  	[dreg:$0x3] =	wrdreg s2  }
0xb1: {  	[dreg:$0x4] =	wrdreg s18  }
0xb2: {  	[dreg:$0x5] =	wrdreg $0x9  }
0xb3: {  	_ =	task.clear_ibuf [dreg:s8], $0x6FFFF;
	_ =	strace $0x90000046  }
0xb4: {  	s29 =	simm.s32 $0x9;
	_ =	strace $0x80000048  }
0xb5: {  	_ =	swait.ge [sflag:s29], $0x1  }
0xb6: {  	[sflag:s29] =	ssyncadd.s32 $0xFFFFFFFF  }
0xb7: {  	_ =	strace $0x90000048  }
0xb8: {  	_ =	sfence  }
0xb9: {  	s30 =	sld [smem:$0x0];
	_ =	sdelay $0x2  }
0xba: {  	s31 =	sshll.u32 s1, $0xD;
	s1 =	sshrl.u32 s1, $0x2  }
0xbb: {  	s3 =	sand.u32 $0x4000, s31;
	s1 =	sadd.s32 s1, s30  }
0xbc: {  	s0 =	sor.u32 s3, s0;
	s1 =	sshll.u32 s1, $0x11  }
0xbd: {  	s0 =	sor.u32 s1, s0  }
0xbe: {  	s0 =	sadd.s32 $0x8F2B, s0  }
0xbf: {  	[sflag:s0] =	ssyncadd.remote.s32 $0x1  }
0xc0: {  	_ =	sfence.sel $0xFFFF  }
0xc1: {  	[dreg:$0x0] =	wrdreg $0xFFFFFFFF;
	(pc) =	sbr.abs _section_cstart, $3  }
0xc2: {  	[dreg:$0x1] =	wrdreg $0xFFFFFFFF  }
0xc3: {  	_ =	task.clear_ibuf [dreg:s8], $0x2FFFF;
	_ =	strace $0x9FFFFFFF  }
0xc4: {  	(tm) =	ssettm $0x7FFFFFFF  }
0xc5: {  	_ =	shalt  }
tec
execute0_lowered:
.L_overlay_start_1:
0x0: {  	(tag) =	ssettag $0x1  }
0x1: {  	s6 =	rddreg [dreg:$0x0]  }
0x2: {  	s7 =	rddreg [dreg:$0x1]  }
0x3: {  	s9 =	rddreg [dreg:$0x2];
	s1 =	srdreg.scid  }
0x4: {  	s0 =	rddreg [dreg:$0x3];
	s2 =	simm.s32 $0x0;
	s12 =	simm.s32 $0x3200  }
0x5: {  	s13 =	simm.s32 $0x4B00;
	s14 =	simm.s32 $0x400;
	s15 =	simm.s32 $0x8000  }
0x6: {  	s16 =	simm.s32 $0x6400;
	s17 =	simm.s32 $0xA000;
	s18 =	simm.s32 $0x1  }
0x7: {  	s19 =	simm.s32 $0x2;
	s20 =	simm.s32 $0xC800;
	s21 =	simm.s32 $0x3  }
0x8: {  	s22 =	simm.s32 $0x80;
	s23 =	simm.s32 $0x1000;
	s24 =	simm.s32 $0x4  }
0x9: {  	s25 =	simm.s32 $0x0;
	s4 =	sand.u32 $0x1, s1;
	[smem:$0x7FF] =	sst s2  }
0xa: {  	s1 =	stileid.u32;
	s3 =	sadd.s32 $0xA00, s6;
	s5 =	ssub.s32 $0x2, s4  }
0xb: {  	_ =	strace $0x80000047;
	s10 =	sshll.u32 s1, $0x1;
	s8 =	sshrl.u32 s5, $0x1  }
0xc: {  	v0 =	vlaneseq.u32;
	s30 =	sor.u32 s4, s10;
	s4 =	sadd.s32 $0xD20, s6;
	s11 =	ssub.s32 s5, s8  }
0xd: {  	v1 =	vor.u32 $0x10, v0;
	s5 =	sadd.s32 $0x1040, s6;
	s10 =	sshll.u32 s30, $0x7;
	s31 =	sshll.u32 s30, $0x4  }
0xe: {  	v2 =	vor.u32 $0x20, v0;
	v3 =	vor.u32 $0x30, v0;
	v4 =	vor.u32 $0x40, v0;
	s6 =	sadd.s32 $0x1360, s6;
	s7 =	sadd.s32 s7, s10;
	s9 =	sadd.s32 s9, s31  }
0xf: {  	v5 =	vor.u32 $0x50, v0;
	v6 =	vor.u32 $0x60, v0;
	v7 =	vor.u32 $0x70, v0;
	s10 =	smax.u32 s11, $0x1;
	s11 =	simm.s32 $0x1900;
	s8 =	sadd.s32 $0xF000, s7  }
.LBB2_1:
0x10: {  	[tilespmem:s2], [sflag:$0x1] =	stream.linear.gather [hbm4b:s3+s2], $0x1900, $0x38;
	[tilespmem:$0xDC00] =	vst v63  }
0x11: {  	_ = 	snop  }
0x12: {  	[tilespmem:s11], [sflag:$0x1] =	stream.linear.gather [hbm4b:s4+s2], $0x1900, $0x38;
	[tilespmem:$0xDC00] =	vst v63  }
0x13: {  	_ = 	snop  }
0x14: {  	[tilespmem:s12], [sflag:$0x1] =	stream.linear.gather [hbm4b:s5+s2], $0x1900, $0x38;
	[tilespmem:$0xDC00] =	vst v63  }
0x15: {  	_ = 	snop  }
0x16: {  	[tilespmem:s13], [sflag:$0x1] =	stream.linear.gather [hbm4b:s6+s2], $0x1900, $0x38;
	[tilespmem:$0xDC00] =	vst v63  }
0x17: {  	_ = 	snop  }
0x18: {  	[tilespmem:s16], [sflag:$0x2] =	stream.strided.gather [hbm4b:s7+s14], $0x3C00, s15, s14, $0x38;
	[tilespmem:$0xDC00] =	vst v63  }
0x19: {  	_ = 	snop  }
0x1a: {  	[tilespmem:s17], [sflag:$0x3] =	stream.strided.gather [hbm4b:s8+s14], $0x2800, s15, s14, $0x38;
	[tilespmem:$0xDC00] =	vst v63  }
0x1b: {  	_ =	swait.ge [sflag:s18], $0x1900  }
0x1c: {  	[sflag:s18] =	ssyncset.done $0x0  }
0x1d: {  	[sflag:s18] =	ssyncadd.s32 $0xFFFFE700  }
0x1e: {  	_ =	swait.ge [sflag:s18], $0x1900  }
0x1f: {  	[sflag:s18] =	ssyncset.done $0x0  }
0x20: {  	[sflag:s18] =	ssyncadd.s32 $0xFFFFE700  }
0x21: {  	_ =	swait.ge [sflag:s18], $0x1900  }
0x22: {  	[sflag:s18] =	ssyncset.done $0x0  }
0x23: {  	[sflag:s18] =	ssyncadd.s32 $0xFFFFE700  }
0x24: {  	_ =	swait.ge [sflag:s18], $0x1900  }
0x25: {  	[sflag:s18] =	ssyncset.done $0x0  }
0x26: {  	[sflag:s18] =	ssyncadd.s32 $0xFFFFE700  }
0x27: {  	_ =	swait.ge [sflag:s19], $0x3C00  }
0x28: {  	[sflag:s19] =	ssyncset.done $0x0  }
0x29: {  	s26 =	simm.s32 $0x6540;
	s28 =	simm.s32 $0x0;
	[sflag:s19] =	ssyncadd.s32 $0xFFFFC400  }
.LBB2_2:
0x2a: {  	v8 =	vld [tilespmem:s26+$0xFFFFFEC0]  }
0x2b: {  	v9 =	vld [tilespmem:s26+$0xFFFFFF40];
	_ =	sdelay $0x1  }
0x2c: {  	v10 =	vld [tilespmem:s26+$0xFFFFFFC0];
	_ =	sdelay $0x1  }
0x2d: {  	v11 =	vld [tilespmem:s26+$0x40];
	_ =	sdelay $0x1  }
0x2e: {  	v12 =	vld [tilespmem:s26+$0xC0]  }
0x2f: {  	v8 =	vld.idx.msk [tilespmem:v8+s2+$0x0], $0xffff  }
0x30: {  	v9 =	vld.idx.msk [tilespmem:v9+s2+$0x0], $0xffff;
	_ =	sdelay $0x1  }
0x31: {  	v10 =	vld.idx.msk [tilespmem:v10+s2+$0x0], $0xffff;
	_ =	sdelay $0x1  }
0x32: {  	v11 =	vld.idx.msk [tilespmem:v11+s2+$0x0], $0xffff  }
0x33: {  	v8 =	vadd.f32 v9, v8  }
0x34: {  	v27 =	vld.idx.msk [tilespmem:v12+s2+$0x0], $0xffff  }
0x35: {  	s29 =	sshll.u32 s28, $0x7;
	v8 =	vadd.f32 v10, v8  }
0x36: {  	v28 =	vor.u32 s29, v0  }
0x37: {  	v8 =	vadd.f32 v11, v8;
	_ =	sdelay $0x1  }
0x38: {  	v8 =	vadd.f32 v27, v8;
	_ =	sdelay $0x1  }
0x39: {  	[tilespmem:v28+s20+$0x0] =	vst.idx.msk $0xffff, v8  }
0x3a: {  	v8 =	vld [tilespmem:s26+$0xFFFFFED0]  }
0x3b: {  	v29 =	vld [tilespmem:s26+$0xFFFFFF50];
	_ =	sdelay $0x1  }
0x3c: {  	v10 =	vld [tilespmem:s26+$0xFFFFFFD0];
	_ =	sdelay $0x1  }
0x3d: {  	v30 =	vld [tilespmem:s26+$0x50];
	_ =	sdelay $0x1  }
0x3e: {  	v31 =	vld [tilespmem:s26+$0xD0]  }
0x3f: {  	v8 =	vld.idx.msk [tilespmem:v8+s2+$0x0], $0xffff  }
0x40: {  	v9 =	vld.idx.msk [tilespmem:v29+s2+$0x0], $0xffff;
	_ =	sdelay $0x1  }
0x41: {  	v10 =	vld.idx.msk [tilespmem:v10+s2+$0x0], $0xffff;
	_ =	sdelay $0x1  }
0x42: {  	v11 =	vld.idx.msk [tilespmem:v30+s2+$0x0], $0xffff  }
0x43: {  	v8 =	vadd.f32 v9, v8  }
0x44: {  	v32 =	vld.idx.msk [tilespmem:v31+s2+$0x0], $0xffff  }
0x45: {  	v8 =	vadd.f32 v10, v8  }
0x46: {  	v33 =	vor.u32 s29, v1  }
0x47: {  	v8 =	vadd.f32 v11, v8;
	_ =	sdelay $0x1  }
0x48: {  	v8 =	vadd.f32 v32, v8;
	_ =	sdelay $0x1  }
0x49: {  	[tilespmem:v33+s20+$0x0] =	vst.idx.msk $0xffff, v8  }
0x4a: {  	v8 =	vld [tilespmem:s26+$0xFFFFFEE0]  }
0x4b: {  	v34 =	vld [tilespmem:s26+$0xFFFFFF60];
	_ =	sdelay $0x1  }
0x4c: {  	v10 =	vld [tilespmem:s26+$0xFFFFFFE0];
	_ =	sdelay $0x1  }
0x4d: {  	v35 =	vld [tilespmem:s26+$0x60];
	_ =	sdelay $0x1  }
0x4e: {  	v36 =	vld [tilespmem:s26+$0xE0]  }
0x4f: {  	v8 =	vld.idx.msk [tilespmem:v8+s2+$0x0], $0xffff  }
0x50: {  	v9 =	vld.idx.msk [tilespmem:v34+s2+$0x0], $0xffff;
	_ =	sdelay $0x1  }
0x51: {  	v10 =	vld.idx.msk [tilespmem:v10+s2+$0x0], $0xffff;
	_ =	sdelay $0x1  }
0x52: {  	v11 =	vld.idx.msk [tilespmem:v35+s2+$0x0], $0xffff  }
0x53: {  	v8 =	vadd.f32 v9, v8  }
0x54: {  	v37 =	vld.idx.msk [tilespmem:v36+s2+$0x0], $0xffff  }
0x55: {  	v8 =	vadd.f32 v10, v8  }
0x56: {  	v38 =	vor.u32 s29, v2  }
0x57: {  	v8 =	vadd.f32 v11, v8;
	_ =	sdelay $0x1  }
0x58: {  	v8 =	vadd.f32 v37, v8;
	_ =	sdelay $0x1  }
0x59: {  	[tilespmem:v38+s20+$0x0] =	vst.idx.msk $0xffff, v8  }
0x5a: {  	v8 =	vld [tilespmem:s26+$0xFFFFFEF0]  }
0x5b: {  	v39 =	vld [tilespmem:s26+$0xFFFFFF70];
	_ =	sdelay $0x1  }
0x5c: {  	v10 =	vld [tilespmem:s26+$0xFFFFFFF0];
	_ =	sdelay $0x1  }
0x5d: {  	v40 =	vld [tilespmem:s26+$0x70];
	_ =	sdelay $0x1  }
0x5e: {  	v41 =	vld [tilespmem:s26+$0xF0]  }
0x5f: {  	v8 =	vld.idx.msk [tilespmem:v8+s2+$0x0], $0xffff  }
0x60: {  	v9 =	vld.idx.msk [tilespmem:v39+s2+$0x0], $0xffff;
	_ =	sdelay $0x1  }
0x61: {  	v10 =	vld.idx.msk [tilespmem:v10+s2+$0x0], $0xffff;
	_ =	sdelay $0x1  }
0x62: {  	v11 =	vld.idx.msk [tilespmem:v40+s2+$0x0], $0xffff  }
0x63: {  	v8 =	vadd.f32 v9, v8  }
0x64: {  	v42 =	vld.idx.msk [tilespmem:v41+s2+$0x0], $0xffff  }
0x65: {  	v8 =	vadd.f32 v10, v8  }
0x66: {  	v43 =	vor.u32 s29, v3  }
0x67: {  	v8 =	vadd.f32 v11, v8;
	_ =	sdelay $0x1  }
0x68: {  	v8 =	vadd.f32 v42, v8;
	_ =	sdelay $0x1  }
0x69: {  	[tilespmem:v43+s20+$0x0] =	vst.idx.msk $0xffff, v8  }
0x6a: {  	v8 =	vld [tilespmem:s26+$0xFFFFFF00]  }
0x6b: {  	v44 =	vld [tilespmem:s26+$0xFFFFFF80];
	_ =	sdelay $0x1  }
0x6c: {  	v10 =	vld [tilespmem:s26+$0x0];
	_ =	sdelay $0x1  }
0x6d: {  	v45 =	vld [tilespmem:s26+$0x80];
	_ =	sdelay $0x1  }
0x6e: {  	v46 =	vld [tilespmem:s26+$0x100]  }
0x6f: {  	v8 =	vld.idx.msk [tilespmem:v8+s2+$0x0], $0xffff  }
0x70: {  	v9 =	vld.idx.msk [tilespmem:v44+s2+$0x0], $0xffff;
	_ =	sdelay $0x1  }
0x71: {  	v10 =	vld.idx.msk [tilespmem:v10+s2+$0x0], $0xffff;
	_ =	sdelay $0x1  }
0x72: {  	v11 =	vld.idx.msk [tilespmem:v45+s2+$0x0], $0xffff  }
0x73: {  	v8 =	vadd.f32 v9, v8  }
0x74: {  	v47 =	vld.idx.msk [tilespmem:v46+s2+$0x0], $0xffff  }
0x75: {  	v8 =	vadd.f32 v10, v8  }
0x76: {  	v48 =	vor.u32 s29, v4  }
0x77: {  	v8 =	vadd.f32 v11, v8;
	_ =	sdelay $0x1  }
0x78: {  	v8 =	vadd.f32 v47, v8;
	_ =	sdelay $0x1  }
0x79: {  	[tilespmem:v48+s20+$0x0] =	vst.idx.msk $0xffff, v8  }
0x7a: {  	v8 =	vld [tilespmem:s26+$0xFFFFFF10]  }
0x7b: {  	v49 =	vld [tilespmem:s26+$0xFFFFFF90];
	_ =	sdelay $0x1  }
0x7c: {  	v10 =	vld [tilespmem:s26+$0x10];
	_ =	sdelay $0x1  }
0x7d: {  	v50 =	vld [tilespmem:s26+$0x90];
	_ =	sdelay $0x1  }
0x7e: {  	v51 =	vld [tilespmem:s26+$0x110]  }
0x7f: {  	v8 =	vld.idx.msk [tilespmem:v8+s2+$0x0], $0xffff  }
0x80: {  	v9 =	vld.idx.msk [tilespmem:v49+s2+$0x0], $0xffff;
	_ =	sdelay $0x1  }
0x81: {  	v10 =	vld.idx.msk [tilespmem:v10+s2+$0x0], $0xffff;
	_ =	sdelay $0x1  }
0x82: {  	v11 =	vld.idx.msk [tilespmem:v50+s2+$0x0], $0xffff  }
0x83: {  	v8 =	vadd.f32 v9, v8  }
0x84: {  	v52 =	vld.idx.msk [tilespmem:v51+s2+$0x0], $0xffff  }
0x85: {  	v8 =	vadd.f32 v10, v8  }
0x86: {  	v53 =	vor.u32 s29, v5  }
0x87: {  	v8 =	vadd.f32 v11, v8;
	_ =	sdelay $0x1  }
0x88: {  	v8 =	vadd.f32 v52, v8;
	_ =	sdelay $0x1  }
0x89: {  	[tilespmem:v53+s20+$0x0] =	vst.idx.msk $0xffff, v8  }
0x8a: {  	v8 =	vld [tilespmem:s26+$0xFFFFFF20]  }
0x8b: {  	v54 =	vld [tilespmem:s26+$0xFFFFFFA0];
	_ =	sdelay $0x1  }
0x8c: {  	v10 =	vld [tilespmem:s26+$0x20];
	_ =	sdelay $0x1  }
0x8d: {  	v55 =	vld [tilespmem:s26+$0xA0];
	_ =	sdelay $0x1  }
0x8e: {  	v56 =	vld [tilespmem:s26+$0x120]  }
0x8f: {  	v8 =	vld.idx.msk [tilespmem:v8+s2+$0x0], $0xffff  }
0x90: {  	v9 =	vld.idx.msk [tilespmem:v54+s2+$0x0], $0xffff;
	_ =	sdelay $0x1  }
0x91: {  	v10 =	vld.idx.msk [tilespmem:v10+s2+$0x0], $0xffff;
	_ =	sdelay $0x1  }
0x92: {  	v11 =	vld.idx.msk [tilespmem:v55+s2+$0x0], $0xffff  }
0x93: {  	v8 =	vadd.f32 v9, v8  }
0x94: {  	v57 =	vld.idx.msk [tilespmem:v56+s2+$0x0], $0xffff  }
0x95: {  	v8 =	vadd.f32 v10, v8  }
0x96: {  	v58 =	vor.u32 s29, v6  }
0x97: {  	v8 =	vadd.f32 v11, v8;
	_ =	sdelay $0x1  }
0x98: {  	v8 =	vadd.f32 v57, v8;
	_ =	sdelay $0x1  }
0x99: {  	[tilespmem:v58+s20+$0x0] =	vst.idx.msk $0xffff, v8  }
0x9a: {  	v8 =	vld [tilespmem:s26+$0xFFFFFF30]  }
0x9b: {  	v59 =	vld [tilespmem:s26+$0xFFFFFFB0];
	_ =	sdelay $0x1  }
0x9c: {  	v10 =	vld [tilespmem:s26+$0x30];
	_ =	sdelay $0x1  }
0x9d: {  	v60 =	vld [tilespmem:s26+$0xB0];
	_ =	sdelay $0x1  }
0x9e: {  	v61 =	vld [tilespmem:s26+$0x130]  }
0x9f: {  	v8 =	vld.idx.msk [tilespmem:v8+s2+$0x0], $0xffff  }
0xa0: {  	v9 =	vld.idx.msk [tilespmem:v59+s2+$0x0], $0xffff;
	_ =	sdelay $0x1  }
0xa1: {  	v10 =	vld.idx.msk [tilespmem:v10+s2+$0x0], $0xffff;
	_ =	sdelay $0x1  }
0xa2: {  	v11 =	vld.idx.msk [tilespmem:v60+s2+$0x0], $0xffff  }
0xa3: {  	v8 =	vadd.f32 v9, v8  }
0xa4: {  	v62 =	vld.idx.msk [tilespmem:v61+s2+$0x0], $0xffff  }
0xa5: {  	v8 =	vadd.f32 v10, v8  }
0xa6: {  	p0 =	sne.s32 s28, $0x17;
	v63 =	vor.u32 s29, v7  }
.Ltmp0:
0xa7: {  	v8 =	vadd.f32 v11, v8;
	(pc) =	sbr.rel @p0 .LBB2_2-.Ltmp0, $3  }
0xa8: {  	_ = 	snop  }
0xa9: {  	v8 =	vadd.f32 v62, v8;
	_ =	sdelay $0x1  }
0xaa: {  	s28 =	sadd.s32 $0x1, s28;
	s26 =	sadd.s32 $0x280, s26;
	[tilespmem:v63+s20+$0x0] =	vst.idx.msk $0xffff, v8  }
0xab: {  	_ =	swait.ge [sflag:s21], $0x2800  }
0xac: {  	[sflag:s21] =	ssyncset.done $0x0  }
0xad: {  	s26 =	simm.s32 $0x18;
	s28 =	simm.s32 $0xA270;
	[sflag:s21] =	ssyncadd.s32 $0xFFFFD800  }
.LBB2_4:
0xae: {  	v8 =	vld [tilespmem:s28+$0xFFFFFD90]  }
0xaf: {  	v9 =	vld [tilespmem:s28+$0xFFFFFE10];
	_ =	sdelay $0x1  }
0xb0: {  	v10 =	vld [tilespmem:s28+$0xFFFFFE90];
	_ =	sdelay $0x1  }
0xb1: {  	v11 =	vld [tilespmem:s28+$0xFFFFFF10];
	_ =	sdelay $0x1  }
0xb2: {  	v12 =	vld [tilespmem:s28+$0xFFFFFF90]  }
0xb3: {  	v8 =	vld.idx.msk [tilespmem:v8+s2+$0x0], $0xffff  }
0xb4: {  	v9 =	vld.idx.msk [tilespmem:v9+s2+$0x0], $0xffff;
	_ =	sdelay $0x1  }
0xb5: {  	v10 =	vld.idx.msk [tilespmem:v10+s2+$0x0], $0xffff;
	_ =	sdelay $0x1  }
0xb6: {  	v11 =	vld.idx.msk [tilespmem:v11+s2+$0x0], $0xffff  }
0xb7: {  	v8 =	vadd.f32 v9, v8  }
0xb8: {  	v27 =	vld.idx.msk [tilespmem:v12+s2+$0x0], $0xffff  }
0xb9: {  	s29 =	sshll.u32 s26, $0x7;
	v8 =	vadd.f32 v10, v8  }
0xba: {  	v28 =	vor.u32 s29, v0  }
0xbb: {  	v8 =	vadd.f32 v11, v8;
	_ =	sdelay $0x1  }
0xbc: {  	v8 =	vadd.f32 v27, v8;
	_ =	sdelay $0x1  }
0xbd: {  	[tilespmem:v28+s20+$0x0] =	vst.idx.msk $0xffff, v8  }
0xbe: {  	v8 =	vld [tilespmem:s28+$0xFFFFFDA0]  }
0xbf: {  	v29 =	vld [tilespmem:s28+$0xFFFFFE20];
	_ =	sdelay $0x1  }
0xc0: {  	v10 =	vld [tilespmem:s28+$0xFFFFFEA0];
	_ =	sdelay $0x1  }
0xc1: {  	v30 =	vld [tilespmem:s28+$0xFFFFFF20];
	_ =	sdelay $0x1  }
0xc2: {  	v31 =	vld [tilespmem:s28+$0xFFFFFFA0]  }
0xc3: {  	v8 =	vld.idx.msk [tilespmem:v8+s2+$0x0], $0xffff  }
0xc4: {  	v9 =	vld.idx.msk [tilespmem:v29+s2+$0x0], $0xffff;
	_ =	sdelay $0x1  }
0xc5: {  	v10 =	vld.idx.msk [tilespmem:v10+s2+$0x0], $0xffff;
	_ =	sdelay $0x1  }
0xc6: {  	v11 =	vld.idx.msk [tilespmem:v30+s2+$0x0], $0xffff  }
0xc7: {  	v8 =	vadd.f32 v9, v8  }
0xc8: {  	v32 =	vld.idx.msk [tilespmem:v31+s2+$0x0], $0xffff  }
0xc9: {  	v8 =	vadd.f32 v10, v8  }
0xca: {  	v33 =	vor.u32 s29, v1  }
0xcb: {  	v8 =	vadd.f32 v11, v8;
	_ =	sdelay $0x1  }
0xcc: {  	v8 =	vadd.f32 v32, v8;
	_ =	sdelay $0x1  }
0xcd: {  	[tilespmem:v33+s20+$0x0] =	vst.idx.msk $0xffff, v8  }
0xce: {  	v8 =	vld [tilespmem:s28+$0xFFFFFDB0]  }
0xcf: {  	v34 =	vld [tilespmem:s28+$0xFFFFFE30];
	_ =	sdelay $0x1  }
0xd0: {  	v10 =	vld [tilespmem:s28+$0xFFFFFEB0];
	_ =	sdelay $0x1  }
0xd1: {  	v35 =	vld [tilespmem:s28+$0xFFFFFF30];
	_ =	sdelay $0x1  }
0xd2: {  	v36 =	vld [tilespmem:s28+$0xFFFFFFB0]  }
0xd3: {  	v8 =	vld.idx.msk [tilespmem:v8+s2+$0x0], $0xffff  }
0xd4: {  	v9 =	vld.idx.msk [tilespmem:v34+s2+$0x0], $0xffff;
	_ =	sdelay $0x1  }
0xd5: {  	v10 =	vld.idx.msk [tilespmem:v10+s2+$0x0], $0xffff;
	_ =	sdelay $0x1  }
0xd6: {  	v11 =	vld.idx.msk [tilespmem:v35+s2+$0x0], $0xffff  }
0xd7: {  	v8 =	vadd.f32 v9, v8  }
0xd8: {  	v37 =	vld.idx.msk [tilespmem:v36+s2+$0x0], $0xffff  }
0xd9: {  	v8 =	vadd.f32 v10, v8  }
0xda: {  	v38 =	vor.u32 s29, v2  }
0xdb: {  	v8 =	vadd.f32 v11, v8;
	_ =	sdelay $0x1  }
0xdc: {  	v8 =	vadd.f32 v37, v8;
	_ =	sdelay $0x1  }
0xdd: {  	[tilespmem:v38+s20+$0x0] =	vst.idx.msk $0xffff, v8  }
0xde: {  	v8 =	vld [tilespmem:s28+$0xFFFFFDC0]  }
0xdf: {  	v39 =	vld [tilespmem:s28+$0xFFFFFE40];
	_ =	sdelay $0x1  }
0xe0: {  	v10 =	vld [tilespmem:s28+$0xFFFFFEC0];
	_ =	sdelay $0x1  }
0xe1: {  	v40 =	vld [tilespmem:s28+$0xFFFFFF40];
	_ =	sdelay $0x1  }
0xe2: {  	v41 =	vld [tilespmem:s28+$0xFFFFFFC0]  }
0xe3: {  	v8 =	vld.idx.msk [tilespmem:v8+s2+$0x0], $0xffff  }
0xe4: {  	v9 =	vld.idx.msk [tilespmem:v39+s2+$0x0], $0xffff;
	_ =	sdelay $0x1  }
0xe5: {  	v10 =	vld.idx.msk [tilespmem:v10+s2+$0x0], $0xffff;
	_ =	sdelay $0x1  }
0xe6: {  	v11 =	vld.idx.msk [tilespmem:v40+s2+$0x0], $0xffff  }
0xe7: {  	v8 =	vadd.f32 v9, v8  }
0xe8: {  	v42 =	vld.idx.msk [tilespmem:v41+s2+$0x0], $0xffff  }
0xe9: {  	v8 =	vadd.f32 v10, v8  }
0xea: {  	v43 =	vor.u32 s29, v3  }
0xeb: {  	v8 =	vadd.f32 v11, v8;
	_ =	sdelay $0x1  }
0xec: {  	v8 =	vadd.f32 v42, v8;
	_ =	sdelay $0x1  }
0xed: {  	[tilespmem:v43+s20+$0x0] =	vst.idx.msk $0xffff, v8  }
0xee: {  	v8 =	vld [tilespmem:s28+$0xFFFFFDD0]  }
0xef: {  	v44 =	vld [tilespmem:s28+$0xFFFFFE50];
	_ =	sdelay $0x1  }
0xf0: {  	v10 =	vld [tilespmem:s28+$0xFFFFFED0];
	_ =	sdelay $0x1  }
0xf1: {  	v45 =	vld [tilespmem:s28+$0xFFFFFF50];
	_ =	sdelay $0x1  }
0xf2: {  	v46 =	vld [tilespmem:s28+$0xFFFFFFD0]  }
0xf3: {  	v8 =	vld.idx.msk [tilespmem:v8+s2+$0x0], $0xffff  }
0xf4: {  	v9 =	vld.idx.msk [tilespmem:v44+s2+$0x0], $0xffff;
	_ =	sdelay $0x1  }
0xf5: {  	v10 =	vld.idx.msk [tilespmem:v10+s2+$0x0], $0xffff;
	_ =	sdelay $0x1  }
0xf6: {  	v11 =	vld.idx.msk [tilespmem:v45+s2+$0x0], $0xffff  }
0xf7: {  	v8 =	vadd.f32 v9, v8  }
0xf8: {  	v47 =	vld.idx.msk [tilespmem:v46+s2+$0x0], $0xffff  }
0xf9: {  	v8 =	vadd.f32 v10, v8  }
0xfa: {  	v48 =	vor.u32 s29, v4  }
0xfb: {  	v8 =	vadd.f32 v11, v8;
	_ =	sdelay $0x1  }
0xfc: {  	v8 =	vadd.f32 v47, v8;
	_ =	sdelay $0x1  }
0xfd: {  	[tilespmem:v48+s20+$0x0] =	vst.idx.msk $0xffff, v8  }
0xfe: {  	v8 =	vld [tilespmem:s28+$0xFFFFFDE0]  }
0xff: {  	v49 =	vld [tilespmem:s28+$0xFFFFFE60];
	_ =	sdelay $0x1  }
0x100: {  	v10 =	vld [tilespmem:s28+$0xFFFFFEE0];
	_ =	sdelay $0x1  }
0x101: {  	v50 =	vld [tilespmem:s28+$0xFFFFFF60];
	_ =	sdelay $0x1  }
0x102: {  	v51 =	vld [tilespmem:s28+$0xFFFFFFE0]  }
0x103: {  	v8 =	vld.idx.msk [tilespmem:v8+s2+$0x0], $0xffff  }
0x104: {  	v9 =	vld.idx.msk [tilespmem:v49+s2+$0x0], $0xffff;
	_ =	sdelay $0x1  }
0x105: {  	v10 =	vld.idx.msk [tilespmem:v10+s2+$0x0], $0xffff;
	_ =	sdelay $0x1  }
0x106: {  	v11 =	vld.idx.msk [tilespmem:v50+s2+$0x0], $0xffff  }
0x107: {  	v8 =	vadd.f32 v9, v8  }
0x108: {  	v52 =	vld.idx.msk [tilespmem:v51+s2+$0x0], $0xffff  }
0x109: {  	v8 =	vadd.f32 v10, v8  }
0x10a: {  	v53 =	vor.u32 s29, v5  }
0x10b: {  	v8 =	vadd.f32 v11, v8;
	_ =	sdelay $0x1  }
0x10c: {  	v8 =	vadd.f32 v52, v8;
	_ =	sdelay $0x1  }
0x10d: {  	[tilespmem:v53+s20+$0x0] =	vst.idx.msk $0xffff, v8  }
0x10e: {  	v8 =	vld [tilespmem:s28+$0xFFFFFDF0]  }
0x10f: {  	v54 =	vld [tilespmem:s28+$0xFFFFFE70];
	_ =	sdelay $0x1  }
0x110: {  	v10 =	vld [tilespmem:s28+$0xFFFFFEF0];
	_ =	sdelay $0x1  }
0x111: {  	v55 =	vld [tilespmem:s28+$0xFFFFFF70];
	_ =	sdelay $0x1  }
0x112: {  	v56 =	vld [tilespmem:s28+$0xFFFFFFF0]  }
0x113: {  	v8 =	vld.idx.msk [tilespmem:v8+s2+$0x0], $0xffff  }
0x114: {  	v9 =	vld.idx.msk [tilespmem:v54+s2+$0x0], $0xffff;
	_ =	sdelay $0x1  }
0x115: {  	v10 =	vld.idx.msk [tilespmem:v10+s2+$0x0], $0xffff;
	_ =	sdelay $0x1  }
0x116: {  	v11 =	vld.idx.msk [tilespmem:v55+s2+$0x0], $0xffff  }
0x117: {  	v8 =	vadd.f32 v9, v8  }
0x118: {  	v57 =	vld.idx.msk [tilespmem:v56+s2+$0x0], $0xffff  }
0x119: {  	v8 =	vadd.f32 v10, v8  }
0x11a: {  	v58 =	vor.u32 s29, v6  }
0x11b: {  	v8 =	vadd.f32 v11, v8;
	_ =	sdelay $0x1  }
0x11c: {  	v8 =	vadd.f32 v57, v8;
	_ =	sdelay $0x1  }
0x11d: {  	[tilespmem:v58+s20+$0x0] =	vst.idx.msk $0xffff, v8  }
0x11e: {  	v8 =	vld [tilespmem:s28+$0xFFFFFE00]  }
0x11f: {  	v59 =	vld [tilespmem:s28+$0xFFFFFE80];
	_ =	sdelay $0x1  }
0x120: {  	v10 =	vld [tilespmem:s28+$0xFFFFFF00];
	_ =	sdelay $0x1  }
0x121: {  	v60 =	vld [tilespmem:s28+$0xFFFFFF80];
	_ =	sdelay $0x1  }
0x122: {  	v61 =	vld [tilespmem:s28+$0x0]  }
0x123: {  	v8 =	vld.idx.msk [tilespmem:v8+s2+$0x0], $0xffff  }
0x124: {  	v9 =	vld.idx.msk [tilespmem:v59+s2+$0x0], $0xffff;
	_ =	sdelay $0x1  }
0x125: {  	v10 =	vld.idx.msk [tilespmem:v10+s2+$0x0], $0xffff;
	_ =	sdelay $0x1  }
0x126: {  	v11 =	vld.idx.msk [tilespmem:v60+s2+$0x0], $0xffff  }
0x127: {  	v8 =	vadd.f32 v9, v8  }
0x128: {  	v62 =	vld.idx.msk [tilespmem:v61+s2+$0x0], $0xffff  }
0x129: {  	v8 =	vadd.f32 v10, v8  }
0x12a: {  	p0 =	sne.s32 s26, $0x27;
	v63 =	vor.u32 s29, v7  }
.Ltmp1:
0x12b: {  	v8 =	vadd.f32 v11, v8;
	(pc) =	sbr.rel @p0 .LBB2_4-.Ltmp1, $3  }
0x12c: {  	_ = 	snop  }
0x12d: {  	v8 =	vadd.f32 v62, v8;
	_ =	sdelay $0x1  }
0x12e: {  	s26 =	sadd.s32 $0x1, s26;
	s28 =	sadd.s32 $0x280, s28;
	[tilespmem:v63+s20+$0x0] =	vst.idx.msk $0xffff, v8  }
0x12f: {  	s25 =	sadd.s32 $0x1, s25  }
0x130: {  	p0 =	sne.s32 s25, s10  }
.Ltmp2:
0x131: {  	_ = 	snop;
	(pc) =	sbr.rel @p0 .LBB2_1-.Ltmp2, $4  }
0x132: {  	[hbm4b:s9+s22] =	stream.strided.scatter [tilespmem:s20], [sflag:$0x4], $0x1400, s23, s22, $0x38;
	[tilespmem:$0xDC00] =	vst v63  }
0x133: {  	_ =	swait.ge [sflag:s24], $0x1400  }
0x134: {  	[sflag:s24] =	ssyncset.done $0x0  }
0x135: {  	[sflag:s24] =	ssyncadd.s32 $0xFFFFEC00  }
0x136: {  	_ =	sfence.sel $0x180000  }
0x137: {  	[bflag:$0x0] =	sbarrier.arrive $0xFFFF  }
0x138: {  	p0 =	sne.s32 s1, $0x0;
	_ =	strace $0x90000047  }
0x139: {  	s0 =	sadd.s32 @!p0 $0x100000, s0;
	[bflag:$0x2] =	sbarrier.arrive $0xFFFF  }
0x13a: {  	[sflag:s0] =	ssyncadd.tile.s32 @!p0 $0x1;
	_ =	shalt  }
.Lfunc_end2:
_tile_overlayer_lowered:
.L_overlay_start_2:
0x13b: {  	(tag) =	ssettag $0x2  }
0x13c: {  	s0 =	rddreg [dreg:$0x0];
	s2 =	stileid.u32  }
0x13d: {  	s1 =	rddreg [dreg:$0x1];
	p0 =	sne.s32 s2, $0x0  }
0x13e: {  	s3 =	rddreg [dreg:$0x2];
	[bflag:$0x3] =	sbarrier.arrive $0xFFFF;
	s2 =	simm.s32 @!p0 $0x1C04  }
0x13f: {  	[timem:s3], [sflag:s2] =	dma.local @!p0 [hbm:s0], s1  }
0x140: {  	s0 =	simm.s32 @!p0 $0x4  }
0x141: {  	_ =	swait.ge @!p0 [sflag:s0], s1  }
0x142: {  	s1 =	ssub.s32 @!p0 $0x0, s1;
	[sflag:s0] =	ssyncset.done @!p0 $0x0  }
0x143: {  	[sflag:s0] =	ssyncadd.s32 @!p0 s1  }
0x144: {  	[bflag:$0x3] =	sbarrier.arrive $0xFFFF  }
0x145: {  	_ =	shalt  }

</sc_bundles>
